<compile_context>
chip_gen: v7x
topology: tpu7x:2x2x1
jax: 0.10.2.dev20260603
libtpu: 0.0.44.dev20260713+nightly
codegen_flags: <defaults>
</compile_context>

<pallas_src>
import math

import jax
import jax.numpy as jnp
from jax import lax
from jax.experimental import pallas as pl
from jax.experimental.pallas import tpu as pltpu
from jax.experimental.pallas import tpu_sc as plsc

_MAX_LENGTH = 200
_NC = 2
_NS = 16
_NW = _NC * _NS
_CH = 400
_L = 16
_NG = 4
_NSB = 3


def _pos_encoding(position, embed_dim):
    pos = jnp.arange(position, dtype=jnp.float32)[:, None]
    i = jnp.arange(embed_dim)[None, :]
    angle_rates = 1.0 / jnp.power(
        10000.0, (2 * (i // 2)).astype(jnp.float32) / jnp.float32(embed_dim))
    angle_rads = pos * angle_rates
    pe = jnp.zeros((position, embed_dim), dtype=jnp.float32)
    pe = pe.at[:, 0::2].set(jnp.sin(angle_rads[:, 0::2]))
    pe = pe.at[:, 1::2].set(jnp.cos(angle_rads[:, 1::2]))
    return pe


def _make_body(n_chunks, ch, d, scale):
    def body(idx_hbm, pe_hbm, table_hbm, out_hbm,
             idx_all, pe_v, g0, g1, g2, g3, s0, s1, s2,
             gsem0, gsem1, gsem2, gsem3, ssem0, ssem1, ssem2):
        cid = lax.axis_index("c")
        sid = lax.axis_index("s")
        wid = sid * _NC + cid
        rows_per_w = n_chunks * ch
        pltpu.sync_copy(pe_hbm, pe_v)
        pltpu.sync_copy(idx_hbm.at[wid], idx_all)
        gbufs = (g0, g1, g2, g3)
        sbufs = (s0, s1, s2)
        gsems = (gsem0, gsem1, gsem2, gsem3)
        ssems = (ssem0, ssem1, ssem2)
        gdescs = [None] * n_chunks
        sdescs = [None] * n_chunks

        def fire_gather(c):
            gdescs[c] = pltpu.async_copy(
                table_hbm.at[idx_all.at[pl.ds(c * ch, ch)]],
                gbufs[c % _NG], gsems[c % _NG])

        for c in range(min(_NG, n_chunks)):
            fire_gather(c)
        base = wid * rows_per_w
        for c in range(n_chunks):
            gdescs[c].wait()
            if c >= _NSB:
                sdescs[c - _NSB].wait()
            gbuf = gbufs[c % _NG]
            sbuf = sbufs[c % _NSB]

            def row(r, carry, gbuf=gbuf, sbuf=sbuf):
                for j in range(d // _L):
                    sl = pl.ds(j * _L, _L)
                    sbuf[r, sl] = gbuf[r, sl] * scale + pe_v[r, sl]
                return carry

            lax.fori_loop(0, ch, row, 0)
            if c + _NG < n_chunks:
                fire_gather(c + _NG)
            sdescs[c] = pltpu.async_copy(
                sbuf, out_hbm.at[pl.ds(base + c * ch, ch)], ssems[c % _NSB])
        for c in range(max(0, n_chunks - _NSB), n_chunks):
            sdescs[c].wait()
    return body


def kernel(inputs, token_table):
    b, t = inputs.shape
    v, d = token_table.shape
    n = b * t
    assert d % _L == 0 and n % (_NW * _CH) == 0 and _CH % t == 0
    n_chunks = n // (_NW * _CH)
    idx = inputs.reshape(_NW, n_chunks * _CH).astype(jnp.int32)
    pe = _pos_encoding(_MAX_LENGTH, d)[:t]
    pe_tiled = jnp.tile(pe, (_CH // t, 1))
    scale = math.sqrt(float(d))
    mesh = plsc.VectorSubcoreMesh(core_axis_name="c", subcore_axis_name="s")
    k = pl.kernel(
        _make_body(n_chunks, _CH, d, scale),
        out_type=jax.ShapeDtypeStruct((n, d), jnp.float32),
        mesh=mesh,
        compiler_params=pltpu.CompilerParams(use_tc_tiling_on_sc=False),
        scratch_types=(
            [pltpu.VMEM((n_chunks * _CH,), jnp.int32),
             pltpu.VMEM((_CH, d), jnp.float32)]
            + [pltpu.VMEM((_CH, d), jnp.float32) for _ in range(_NG + _NSB)]
            + [pltpu.SemaphoreType.DMA for _ in range(_NG + _NSB)]
        ),
    )
    out = k(idx, pe_tiled, token_table)
    return out.reshape(b, t, d)

# --- scband reference (transcript-rebuilt; emitter-appended) ---
"""Pipeline reference for scband-token-and-position-embedding-45071386804884 (READ-ONLY COPY).

The authoritative reference and input builder live on the scoring server;
editing this copy changes nothing except your own understanding.
"""

import jax, jax.numpy as jnp
import numpy as np

MAX_LENGTH = 200
VOCAB_SIZE = 1000000
EMBED_DIM = 32


def positional_encoding(position, embed_dim):
    pos = jnp.arange(position, dtype=jnp.float32)[:, None]
    i = jnp.arange(embed_dim)[None, :]
    angle_rates = 1.0 / jnp.power(10000.0, (2 * (i // 2)).astype(jnp.float32) / jnp.float32(embed_dim))
    angle_rads = pos * angle_rates
    pe = jnp.zeros((position, embed_dim), dtype=jnp.float32)
    pe = pe.at[:, 0::2].set(jnp.sin(angle_rads[:, 0::2]))
    pe = pe.at[:, 1::2].set(jnp.cos(angle_rads[:, 1::2]))
    return pe[None, ...]


def setup_inputs(seed: int = 0) -> dict:
    key = jax.random.key(seed)
    k_idx, k_tab = jax.random.split(key)
    inputs = jax.random.randint(k_idx, (1024, 200), 0, VOCAB_SIZE, dtype=jnp.int64 if jax.config.jax_enable_x64 else jnp.int32)
    token_table = jax.random.normal(k_tab, (VOCAB_SIZE, EMBED_DIM), dtype=jnp.float32) * 0.05
    return {"inputs": inputs, "token_table": token_table}


def reference(inputs, token_table):
    time_length = inputs.shape[1]
    embedded_tokens = jnp.take(token_table, inputs, axis=0)
    embedded_tokens = embedded_tokens * jnp.sqrt(jnp.float32(EMBED_DIM))
    pe = positional_encoding(MAX_LENGTH, EMBED_DIM)
    embedded_positions = pe[:, :time_length]
    return embedded_tokens + embedded_positions

if __name__ == "__main__":
    import jax
    _d = setup_inputs()
    print(jax.jit(kernel)(*tuple(_d.values())))

</pallas_src>

<mosaic_0001>
#map = affine_map<(d0, d1) -> (0, 0)>
module attributes {stable_mosaic.version = 14 : i64} {
  func.func @body(%arg0: i32, %arg1: i32, %arg2: memref<32x6400xi32, #tpu.memory_space<hbm>>, %arg3: memref<400x32xf32, #tpu.memory_space<hbm>>, %arg4: memref<1000000x32xf32, #tpu.memory_space<hbm>>, %arg5: memref<204800x32xf32, #tpu.memory_space<hbm>>, %arg6: memref<6400xi32, #tpu.memory_space<vmem>>, %arg7: memref<400x32xf32, #tpu.memory_space<vmem>>, %arg8: memref<400x32xf32, #tpu.memory_space<vmem>>, %arg9: memref<400x32xf32, #tpu.memory_space<vmem>>, %arg10: memref<400x32xf32, #tpu.memory_space<vmem>>, %arg11: memref<400x32xf32, #tpu.memory_space<vmem>>, %arg12: memref<400x32xf32, #tpu.memory_space<vmem>>, %arg13: memref<400x32xf32, #tpu.memory_space<vmem>>, %arg14: memref<400x32xf32, #tpu.memory_space<vmem>>, %arg15: memref<!tpu.dma_semaphore, #tpu.memory_space<semaphore_mem>>, %arg16: memref<!tpu.dma_semaphore, #tpu.memory_space<semaphore_mem>>, %arg17: memref<!tpu.dma_semaphore, #tpu.memory_space<semaphore_mem>>, %arg18: memref<!tpu.dma_semaphore, #tpu.memory_space<semaphore_mem>>, %arg19: memref<!tpu.dma_semaphore, #tpu.memory_space<semaphore_mem>>, %arg20: memref<!tpu.dma_semaphore, #tpu.memory_space<semaphore_mem>>, %arg21: memref<!tpu.dma_semaphore, #tpu.memory_space<semaphore_mem>>) attributes {dimension_semantics = [#tpu.dimension_semantics<core_parallel>, #tpu.dimension_semantics<subcore_parallel>], iteration_bounds = array<i64: 2, 16>, scalar_prefetch = 0 : i64, scratch_operands = 16 : i64, tpu.core_type = #tpu.core_type<sc_vector_subcore>, window_params = [{transform_indices = #map}, {transform_indices = #map}, {transform_indices = #map}, {transform_indices = #map}]} {
    %mul3A = arith.constant 2 : i32
    %mul3A_0 = arith.muli %arg1, %mul3A : i32
    %add3A = arith.addi %mul3A_0, %arg0 : i32
    "tpu.region"() ({
      %run_scoped3A = tpu.sem_alloc : memref<!tpu.dma_semaphore, #tpu.memory_space<semaphore_mem>>
      tpu.enqueue_dma source(%arg3 : memref<400x32xf32, #tpu.memory_space<hbm>>) target(%arg7 : memref<400x32xf32, #tpu.memory_space<vmem>>) target_semaphore(%run_scoped3A : memref<!tpu.dma_semaphore, #tpu.memory_space<semaphore_mem>>)
      tpu.wait_dma2 semaphore(%run_scoped3A : memref<!tpu.dma_semaphore, #tpu.memory_space<semaphore_mem>>) src(%arg3 : memref<400x32xf32, #tpu.memory_space<hbm>>) dst(%arg7 : memref<400x32xf32, #tpu.memory_space<vmem>>)
      tpu.yield
    }) : () -> ()
    "tpu.region"() ({
      %run_scoped3A = tpu.sem_alloc : memref<!tpu.dma_semaphore, #tpu.memory_space<semaphore_mem>>
      %dma_start3A_416 = arith.constant 0 : i32
      %dma_start3A_417 = tpu.memref_slice %arg2[%add3A, %dma_start3A_416] : memref<32x6400xi32, #tpu.memory_space<hbm>> -> memref<1x6400xi32, #tpu.memory_space<hbm>>
      %dma_start3A_418 = tpu.memref_squeeze %dma_start3A_417 : memref<1x6400xi32, #tpu.memory_space<hbm>> -> memref<6400xi32, #tpu.memory_space<hbm>>
      %dma_start3A_419 = arith.constant 0 : i32
      %dma_start3A_420 = tpu.memref_slice %arg2[%add3A, %dma_start3A_419] : memref<32x6400xi32, #tpu.memory_space<hbm>> -> memref<1x6400xi32, #tpu.memory_space<hbm>>
      %dma_start3A_421 = tpu.memref_squeeze %dma_start3A_420 : memref<1x6400xi32, #tpu.memory_space<hbm>> -> memref<6400xi32, #tpu.memory_space<hbm>>
      tpu.enqueue_dma source(%dma_start3A_421 : memref<6400xi32, #tpu.memory_space<hbm>>) target(%arg6 : memref<6400xi32, #tpu.memory_space<vmem>>) target_semaphore(%run_scoped3A : memref<!tpu.dma_semaphore, #tpu.memory_space<semaphore_mem>>)
      %dma_wait3A_422 = arith.constant 0 : i32
      %dma_wait3A_423 = tpu.memref_slice %arg2[%add3A, %dma_wait3A_422] : memref<32x6400xi32, #tpu.memory_space<hbm>> -> memref<1x6400xi32, #tpu.memory_space<hbm>>
      %dma_wait3A_424 = tpu.memref_squeeze %dma_wait3A_423 : memref<1x6400xi32, #tpu.memory_space<hbm>> -> memref<6400xi32, #tpu.memory_space<hbm>>
      %dma_wait3A_425 = arith.constant 0 : i32
      %dma_wait3A_426 = tpu.memref_slice %arg2[%add3A, %dma_wait3A_425] : memref<32x6400xi32, #tpu.memory_space<hbm>> -> memref<1x6400xi32, #tpu.memory_space<hbm>>
      %dma_wait3A_427 = tpu.memref_squeeze %dma_wait3A_426 : memref<1x6400xi32, #tpu.memory_space<hbm>> -> memref<6400xi32, #tpu.memory_space<hbm>>
      tpu.wait_dma2 semaphore(%run_scoped3A : memref<!tpu.dma_semaphore, #tpu.memory_space<semaphore_mem>>) src(%dma_wait3A_427 : memref<6400xi32, #tpu.memory_space<hbm>>) dst(%arg6 : memref<6400xi32, #tpu.memory_space<vmem>>)
      tpu.yield
    }) : () -> ()
    %dma_start3A = arith.constant 0 : i32
    %dma_start3A_1 = tpu.memref_slice %arg6[%dma_start3A] : memref<6400xi32, #tpu.memory_space<vmem>> -> memref<400xi32, #tpu.memory_space<vmem>>
    %dma_start3A_2 = arith.constant 0 : i32
    %dma_start3A_3 = arith.constant 0 : i32
    %dma_start3A_4 = tpu.memref_slice %arg4[%dma_start3A_2, %dma_start3A_3] : memref<1000000x32xf32, #tpu.memory_space<hbm>> -> memref<1000000x32xf32, #tpu.memory_space<hbm>>
    tpu.enqueue_indirect_dma source(%dma_start3A_4 : memref<1000000x32xf32, #tpu.memory_space<hbm>>) target(%arg8 : memref<400x32xf32, #tpu.memory_space<vmem>>) offsets(%dma_start3A_1 : memref<400xi32, #tpu.memory_space<vmem>>) semaphore(%arg15 : memref<!tpu.dma_semaphore, #tpu.memory_space<semaphore_mem>>)
    %dma_start3A_5 = arith.constant 400 : i32
    %dma_start3A_6 = tpu.memref_slice %arg6[%dma_start3A_5] : memref<6400xi32, #tpu.memory_space<vmem>> -> memref<400xi32, #tpu.memory_space<vmem>>
    %dma_start3A_7 = arith.constant 0 : i32
    %dma_start3A_8 = arith.constant 0 : i32
    %dma_start3A_9 = tpu.memref_slice %arg4[%dma_start3A_7, %dma_start3A_8] : memref<1000000x32xf32, #tpu.memory_space<hbm>> -> memref<1000000x32xf32, #tpu.memory_space<hbm>>
    tpu.enqueue_indirect_dma source(%dma_start3A_9 : memref<1000000x32xf32, #tpu.memory_space<hbm>>) target(%arg9 : memref<400x32xf32, #tpu.memory_space<vmem>>) offsets(%dma_start3A_6 : memref<400xi32, #tpu.memory_space<vmem>>) semaphore(%arg16 : memref<!tpu.dma_semaphore, #tpu.memory_space<semaphore_mem>>)
    %dma_start3A_10 = arith.constant 800 : i32
    %dma_start3A_11 = tpu.memref_slice %arg6[%dma_start3A_10] : memref<6400xi32, #tpu.memory_space<vmem>> -> memref<400xi32, #tpu.memory_space<vmem>>
    %dma_start3A_12 = arith.constant 0 : i32
    %dma_start3A_13 = arith.constant 0 : i32
    %dma_start3A_14 = tpu.memref_slice %arg4[%dma_start3A_12, %dma_start3A_13] : memref<1000000x32xf32, #tpu.memory_space<hbm>> -> memref<1000000x32xf32, #tpu.memory_space<hbm>>
    tpu.enqueue_indirect_dma source(%dma_start3A_14 : memref<1000000x32xf32, #tpu.memory_space<hbm>>) target(%arg10 : memref<400x32xf32, #tpu.memory_space<vmem>>) offsets(%dma_start3A_11 : memref<400xi32, #tpu.memory_space<vmem>>) semaphore(%arg17 : memref<!tpu.dma_semaphore, #tpu.memory_space<semaphore_mem>>)
    %dma_start3A_15 = arith.constant 1200 : i32
    %dma_start3A_16 = tpu.memref_slice %arg6[%dma_start3A_15] : memref<6400xi32, #tpu.memory_space<vmem>> -> memref<400xi32, #tpu.memory_space<vmem>>
    %dma_start3A_17 = arith.constant 0 : i32
    %dma_start3A_18 = arith.constant 0 : i32
    %dma_start3A_19 = tpu.memref_slice %arg4[%dma_start3A_17, %dma_start3A_18] : memref<1000000x32xf32, #tpu.memory_space<hbm>> -> memref<1000000x32xf32, #tpu.memory_space<hbm>>
    tpu.enqueue_indirect_dma source(%dma_start3A_19 : memref<1000000x32xf32, #tpu.memory_space<hbm>>) target(%arg11 : memref<400x32xf32, #tpu.memory_space<vmem>>) offsets(%dma_start3A_16 : memref<400xi32, #tpu.memory_space<vmem>>) semaphore(%arg18 : memref<!tpu.dma_semaphore, #tpu.memory_space<semaphore_mem>>)
    %mul3A_20 = arith.constant 6400 : i32
    %mul3A_21 = arith.muli %add3A, %mul3A_20 : i32
    %dma_wait3A = arith.constant 0 : i32
    %dma_wait3A_22 = tpu.memref_slice %arg6[%dma_wait3A] : memref<6400xi32, #tpu.memory_space<vmem>> -> memref<400xi32, #tpu.memory_space<vmem>>
    %dma_wait3A_23 = arith.constant 0 : i32
    %dma_wait3A_24 = arith.constant 0 : i32
    %dma_wait3A_25 = tpu.memref_slice %arg4[%dma_wait3A_23, %dma_wait3A_24] : memref<1000000x32xf32, #tpu.memory_space<hbm>> -> memref<1000000x32xf32, #tpu.memory_space<hbm>>
    tpu.wait_indirect_dma semaphore(%arg15 : memref<!tpu.dma_semaphore, #tpu.memory_space<semaphore_mem>>) src(%dma_wait3A_25 : memref<1000000x32xf32, #tpu.memory_space<hbm>>) dst(%arg8 : memref<400x32xf32, #tpu.memory_space<vmem>>)
    %scan3A = arith.constant 0 : i32
    %scan3A_26 = arith.constant 0 : i32
    %scan3A_27 = arith.constant 400 : i32
    %scan3A_28 = arith.addi %scan3A_26, %scan3A_27 : i32
    %scan3A_29 = arith.constant 1 : i32
    scf.for %scan3A_416 = %scan3A_26 to %scan3A_28 step %scan3A_29  : i32 {
      %get3A = arith.index_cast %scan3A_416 : i32 to index
      %get3A_417 = arith.constant 0 : index
      %get3A_418 = tpu.vector_load %arg8[%get3A, %get3A_417] {strides = array<i32>} : memref<400x32xf32, #tpu.memory_space<vmem>>, vector<1x16xf32>,
      %get3A_419 = vector.shape_cast %get3A_418 : vector<1x16xf32> to vector<16xf32>
      %mul3A_420 = arith.constant 5.65685415 : f32
      %mul3A_421 = vector.broadcast %mul3A_420 : f32 to vector<16xf32>
      %mul3A_422 = arith.mulf %get3A_419, %mul3A_421 : vector<16xf32>
      %get3A_423 = arith.index_cast %scan3A_416 : i32 to index
      %get3A_424 = arith.constant 0 : index
      %get3A_425 = tpu.vector_load %arg7[%get3A_423, %get3A_424] {strides = array<i32>} : memref<400x32xf32, #tpu.memory_space<vmem>>, vector<1x16xf32>,
      %get3A_426 = vector.shape_cast %get3A_425 : vector<1x16xf32> to vector<16xf32>
      %add3A_427 = arith.addf %mul3A_422, %get3A_426 : vector<16xf32>
      %swap3A = arith.index_cast %scan3A_416 : i32 to index
      %swap3A_428 = arith.constant 0 : index
      %swap3A_429 = tpu.vector_load %arg12[%swap3A, %swap3A_428] {strides = array<i32>} : memref<400x32xf32, #tpu.memory_space<vmem>>, vector<1x16xf32>,
      %swap3A_430 = vector.shape_cast %swap3A_429 : vector<1x16xf32> to vector<16xf32>
      %swap3A_431 = vector.shape_cast %add3A_427 : vector<16xf32> to vector<1x16xf32>
      tpu.vector_store %arg12[%swap3A, %swap3A_428], %swap3A_431 {strides = array<i32>} : memref<400x32xf32, #tpu.memory_space<vmem>>, vector<1x16xf32>,
      %get3A_432 = arith.index_cast %scan3A_416 : i32 to index
      %get3A_433 = arith.constant 16 : index
      %get3A_434 = tpu.vector_load %arg8[%get3A_432, %get3A_433] {strides = array<i32>} : memref<400x32xf32, #tpu.memory_space<vmem>>, vector<1x16xf32>,
      %get3A_435 = vector.shape_cast %get3A_434 : vector<1x16xf32> to vector<16xf32>
      %mul3A_436 = arith.constant 5.65685415 : f32
      %mul3A_437 = vector.broadcast %mul3A_436 : f32 to vector<16xf32>
      %mul3A_438 = arith.mulf %get3A_435, %mul3A_437 : vector<16xf32>
      %get3A_439 = arith.index_cast %scan3A_416 : i32 to index
      %get3A_440 = arith.constant 16 : index
      %get3A_441 = tpu.vector_load %arg7[%get3A_439, %get3A_440] {strides = array<i32>} : memref<400x32xf32, #tpu.memory_space<vmem>>, vector<1x16xf32>,
      %get3A_442 = vector.shape_cast %get3A_441 : vector<1x16xf32> to vector<16xf32>
      %add3A_443 = arith.addf %mul3A_438, %get3A_442 : vector<16xf32>
      %swap3A_444 = arith.index_cast %scan3A_416 : i32 to index
      %swap3A_445 = arith.constant 16 : index
      %swap3A_446 = tpu.vector_load %arg12[%swap3A_444, %swap3A_445] {strides = array<i32>} : memref<400x32xf32, #tpu.memory_space<vmem>>, vector<1x16xf32>,
      %swap3A_447 = vector.shape_cast %swap3A_446 : vector<1x16xf32> to vector<16xf32>
      %swap3A_448 = vector.shape_cast %add3A_443 : vector<16xf32> to vector<1x16xf32>
      tpu.vector_store %arg12[%swap3A_444, %swap3A_445], %swap3A_448 {strides = array<i32>} : memref<400x32xf32, #tpu.memory_space<vmem>>, vector<1x16xf32>,
    }
    %scan3A_30 = arith.constant 400 : i32
    %dma_start3A_31 = arith.constant 1600 : i32
    %dma_start3A_32 = tpu.memref_slice %arg6[%dma_start3A_31] : memref<6400xi32, #tpu.memory_space<vmem>> -> memref<400xi32, #tpu.memory_space<vmem>>
    %dma_start3A_33 = arith.constant 0 : i32
    %dma_start3A_34 = arith.constant 0 : i32
    %dma_start3A_35 = tpu.memref_slice %arg4[%dma_start3A_33, %dma_start3A_34] : memref<1000000x32xf32, #tpu.memory_space<hbm>> -> memref<1000000x32xf32, #tpu.memory_space<hbm>>
    tpu.enqueue_indirect_dma source(%dma_start3A_35 : memref<1000000x32xf32, #tpu.memory_space<hbm>>) target(%arg8 : memref<400x32xf32, #tpu.memory_space<vmem>>) offsets(%dma_start3A_32 : memref<400xi32, #tpu.memory_space<vmem>>) semaphore(%arg15 : memref<!tpu.dma_semaphore, #tpu.memory_space<semaphore_mem>>)
    %add3A_36 = arith.constant 0 : i32
    %add3A_37 = arith.addi %mul3A_21, %add3A_36 : i32
    %dma_start3A_38 = arith.constant 0 : i32
    %dma_start3A_39 = tpu.memref_slice %arg5[%add3A_37, %dma_start3A_38] : memref<204800x32xf32, #tpu.memory_space<hbm>> -> memref<400x32xf32, #tpu.memory_space<hbm>>
    %dma_start3A_40 = arith.constant 0 : i32
    %dma_start3A_41 = tpu.memref_slice %arg5[%add3A_37, %dma_start3A_40] : memref<204800x32xf32, #tpu.memory_space<hbm>> -> memref<400x32xf32, #tpu.memory_space<hbm>>
    tpu.enqueue_dma source(%arg12 : memref<400x32xf32, #tpu.memory_space<vmem>>) target(%dma_start3A_41 : memref<400x32xf32, #tpu.memory_space<hbm>>) target_semaphore(%arg19 : memref<!tpu.dma_semaphore, #tpu.memory_space<semaphore_mem>>)
    %dma_wait3A_42 = arith.constant 400 : i32
    %dma_wait3A_43 = tpu.memref_slice %arg6[%dma_wait3A_42] : memref<6400xi32, #tpu.memory_space<vmem>> -> memref<400xi32, #tpu.memory_space<vmem>>
    %dma_wait3A_44 = arith.constant 0 : i32
    %dma_wait3A_45 = arith.constant 0 : i32
    %dma_wait3A_46 = tpu.memref_slice %arg4[%dma_wait3A_44, %dma_wait3A_45] : memref<1000000x32xf32, #tpu.memory_space<hbm>> -> memref<1000000x32xf32, #tpu.memory_space<hbm>>
    tpu.wait_indirect_dma semaphore(%arg16 : memref<!tpu.dma_semaphore, #tpu.memory_space<semaphore_mem>>) src(%dma_wait3A_46 : memref<1000000x32xf32, #tpu.memory_space<hbm>>) dst(%arg9 : memref<400x32xf32, #tpu.memory_space<vmem>>)
    %scan3A_47 = arith.constant 0 : i32
    %scan3A_48 = arith.constant 0 : i32
    %scan3A_49 = arith.constant 400 : i32
    %scan3A_50 = arith.addi %scan3A_48, %scan3A_49 : i32
    %scan3A_51 = arith.constant 1 : i32
    scf.for %scan3A_416 = %scan3A_48 to %scan3A_50 step %scan3A_51  : i32 {
      %get3A = arith.index_cast %scan3A_416 : i32 to index
      %get3A_417 = arith.constant 0 : index
      %get3A_418 = tpu.vector_load %arg9[%get3A, %get3A_417] {strides = array<i32>} : memref<400x32xf32, #tpu.memory_space<vmem>>, vector<1x16xf32>,
      %get3A_419 = vector.shape_cast %get3A_418 : vector<1x16xf32> to vector<16xf32>
      %mul3A_420 = arith.constant 5.65685415 : f32
      %mul3A_421 = vector.broadcast %mul3A_420 : f32 to vector<16xf32>
      %mul3A_422 = arith.mulf %get3A_419, %mul3A_421 : vector<16xf32>
      %get3A_423 = arith.index_cast %scan3A_416 : i32 to index
      %get3A_424 = arith.constant 0 : index
      %get3A_425 = tpu.vector_load %arg7[%get3A_423, %get3A_424] {strides = array<i32>} : memref<400x32xf32, #tpu.memory_space<vmem>>, vector<1x16xf32>,
      %get3A_426 = vector.shape_cast %get3A_425 : vector<1x16xf32> to vector<16xf32>
      %add3A_427 = arith.addf %mul3A_422, %get3A_426 : vector<16xf32>
      %swap3A = arith.index_cast %scan3A_416 : i32 to index
      %swap3A_428 = arith.constant 0 : index
      %swap3A_429 = tpu.vector_load %arg13[%swap3A, %swap3A_428] {strides = array<i32>} : memref<400x32xf32, #tpu.memory_space<vmem>>, vector<1x16xf32>,
      %swap3A_430 = vector.shape_cast %swap3A_429 : vector<1x16xf32> to vector<16xf32>
      %swap3A_431 = vector.shape_cast %add3A_427 : vector<16xf32> to vector<1x16xf32>
      tpu.vector_store %arg13[%swap3A, %swap3A_428], %swap3A_431 {strides = array<i32>} : memref<400x32xf32, #tpu.memory_space<vmem>>, vector<1x16xf32>,
      %get3A_432 = arith.index_cast %scan3A_416 : i32 to index
      %get3A_433 = arith.constant 16 : index
      %get3A_434 = tpu.vector_load %arg9[%get3A_432, %get3A_433] {strides = array<i32>} : memref<400x32xf32, #tpu.memory_space<vmem>>, vector<1x16xf32>,
      %get3A_435 = vector.shape_cast %get3A_434 : vector<1x16xf32> to vector<16xf32>
      %mul3A_436 = arith.constant 5.65685415 : f32
      %mul3A_437 = vector.broadcast %mul3A_436 : f32 to vector<16xf32>
      %mul3A_438 = arith.mulf %get3A_435, %mul3A_437 : vector<16xf32>
      %get3A_439 = arith.index_cast %scan3A_416 : i32 to index
      %get3A_440 = arith.constant 16 : index
      %get3A_441 = tpu.vector_load %arg7[%get3A_439, %get3A_440] {strides = array<i32>} : memref<400x32xf32, #tpu.memory_space<vmem>>, vector<1x16xf32>,
      %get3A_442 = vector.shape_cast %get3A_441 : vector<1x16xf32> to vector<16xf32>
      %add3A_443 = arith.addf %mul3A_438, %get3A_442 : vector<16xf32>
      %swap3A_444 = arith.index_cast %scan3A_416 : i32 to index
      %swap3A_445 = arith.constant 16 : index
      %swap3A_446 = tpu.vector_load %arg13[%swap3A_444, %swap3A_445] {strides = array<i32>} : memref<400x32xf32, #tpu.memory_space<vmem>>, vector<1x16xf32>,
      %swap3A_447 = vector.shape_cast %swap3A_446 : vector<1x16xf32> to vector<16xf32>
      %swap3A_448 = vector.shape_cast %add3A_443 : vector<16xf32> to vector<1x16xf32>
      tpu.vector_store %arg13[%swap3A_444, %swap3A_445], %swap3A_448 {strides = array<i32>} : memref<400x32xf32, #tpu.memory_space<vmem>>, vector<1x16xf32>,
    }
    %scan3A_52 = arith.constant 400 : i32
    %dma_start3A_53 = arith.constant 2000 : i32
    %dma_start3A_54 = tpu.memref_slice %arg6[%dma_start3A_53] : memref<6400xi32, #tpu.memory_space<vmem>> -> memref<400xi32, #tpu.memory_space<vmem>>
    %dma_start3A_55 = arith.constant 0 : i32
    %dma_start3A_56 = arith.constant 0 : i32
    %dma_start3A_57 = tpu.memref_slice %arg4[%dma_start3A_55, %dma_start3A_56] : memref<1000000x32xf32, #tpu.memory_space<hbm>> -> memref<1000000x32xf32, #tpu.memory_space<hbm>>
    tpu.enqueue_indirect_dma source(%dma_start3A_57 : memref<1000000x32xf32, #tpu.memory_space<hbm>>) target(%arg9 : memref<400x32xf32, #tpu.memory_space<vmem>>) offsets(%dma_start3A_54 : memref<400xi32, #tpu.memory_space<vmem>>) semaphore(%arg16 : memref<!tpu.dma_semaphore, #tpu.memory_space<semaphore_mem>>)
    %add3A_58 = arith.constant 400 : i32
    %add3A_59 = arith.addi %mul3A_21, %add3A_58 : i32
    %dma_start3A_60 = arith.constant 0 : i32
    %dma_start3A_61 = tpu.memref_slice %arg5[%add3A_59, %dma_start3A_60] : memref<204800x32xf32, #tpu.memory_space<hbm>> -> memref<400x32xf32, #tpu.memory_space<hbm>>
    %dma_start3A_62 = arith.constant 0 : i32
    %dma_start3A_63 = tpu.memref_slice %arg5[%add3A_59, %dma_start3A_62] : memref<204800x32xf32, #tpu.memory_space<hbm>> -> memref<400x32xf32, #tpu.memory_space<hbm>>
    tpu.enqueue_dma source(%arg13 : memref<400x32xf32, #tpu.memory_space<vmem>>) target(%dma_start3A_63 : memref<400x32xf32, #tpu.memory_space<hbm>>) target_semaphore(%arg20 : memref<!tpu.dma_semaphore, #tpu.memory_space<semaphore_mem>>)
    %dma_wait3A_64 = arith.constant 800 : i32
    %dma_wait3A_65 = tpu.memref_slice %arg6[%dma_wait3A_64] : memref<6400xi32, #tpu.memory_space<vmem>> -> memref<400xi32, #tpu.memory_space<vmem>>
    %dma_wait3A_66 = arith.constant 0 : i32
    %dma_wait3A_67 = arith.constant 0 : i32
    %dma_wait3A_68 = tpu.memref_slice %arg4[%dma_wait3A_66, %dma_wait3A_67] : memref<1000000x32xf32, #tpu.memory_space<hbm>> -> memref<1000000x32xf32, #tpu.memory_space<hbm>>
    tpu.wait_indirect_dma semaphore(%arg17 : memref<!tpu.dma_semaphore, #tpu.memory_space<semaphore_mem>>) src(%dma_wait3A_68 : memref<1000000x32xf32, #tpu.memory_space<hbm>>) dst(%arg10 : memref<400x32xf32, #tpu.memory_space<vmem>>)
    %scan3A_69 = arith.constant 0 : i32
    %scan3A_70 = arith.constant 0 : i32
    %scan3A_71 = arith.constant 400 : i32
    %scan3A_72 = arith.addi %scan3A_70, %scan3A_71 : i32
    %scan3A_73 = arith.constant 1 : i32
    scf.for %scan3A_416 = %scan3A_70 to %scan3A_72 step %scan3A_73  : i32 {
      %get3A = arith.index_cast %scan3A_416 : i32 to index
      %get3A_417 = arith.constant 0 : index
      %get3A_418 = tpu.vector_load %arg10[%get3A, %get3A_417] {strides = array<i32>} : memref<400x32xf32, #tpu.memory_space<vmem>>, vector<1x16xf32>,
      %get3A_419 = vector.shape_cast %get3A_418 : vector<1x16xf32> to vector<16xf32>
      %mul3A_420 = arith.constant 5.65685415 : f32
      %mul3A_421 = vector.broadcast %mul3A_420 : f32 to vector<16xf32>
      %mul3A_422 = arith.mulf %get3A_419, %mul3A_421 : vector<16xf32>
      %get3A_423 = arith.index_cast %scan3A_416 : i32 to index
      %get3A_424 = arith.constant 0 : index
      %get3A_425 = tpu.vector_load %arg7[%get3A_423, %get3A_424] {strides = array<i32>} : memref<400x32xf32, #tpu.memory_space<vmem>>, vector<1x16xf32>,
      %get3A_426 = vector.shape_cast %get3A_425 : vector<1x16xf32> to vector<16xf32>
      %add3A_427 = arith.addf %mul3A_422, %get3A_426 : vector<16xf32>
      %swap3A = arith.index_cast %scan3A_416 : i32 to index
      %swap3A_428 = arith.constant 0 : index
      %swap3A_429 = tpu.vector_load %arg14[%swap3A, %swap3A_428] {strides = array<i32>} : memref<400x32xf32, #tpu.memory_space<vmem>>, vector<1x16xf32>,
      %swap3A_430 = vector.shape_cast %swap3A_429 : vector<1x16xf32> to vector<16xf32>
      %swap3A_431 = vector.shape_cast %add3A_427 : vector<16xf32> to vector<1x16xf32>
      tpu.vector_store %arg14[%swap3A, %swap3A_428], %swap3A_431 {strides = array<i32>} : memref<400x32xf32, #tpu.memory_space<vmem>>, vector<1x16xf32>,
      %get3A_432 = arith.index_cast %scan3A_416 : i32 to index
      %get3A_433 = arith.constant 16 : index
      %get3A_434 = tpu.vector_load %arg10[%get3A_432, %get3A_433] {strides = array<i32>} : memref<400x32xf32, #tpu.memory_space<vmem>>, vector<1x16xf32>,
      %get3A_435 = vector.shape_cast %get3A_434 : vector<1x16xf32> to vector<16xf32>
      %mul3A_436 = arith.constant 5.65685415 : f32
      %mul3A_437 = vector.broadcast %mul3A_436 : f32 to vector<16xf32>
      %mul3A_438 = arith.mulf %get3A_435, %mul3A_437 : vector<16xf32>
      %get3A_439 = arith.index_cast %scan3A_416 : i32 to index
      %get3A_440 = arith.constant 16 : index
      %get3A_441 = tpu.vector_load %arg7[%get3A_439, %get3A_440] {strides = array<i32>} : memref<400x32xf32, #tpu.memory_space<vmem>>, vector<1x16xf32>,
      %get3A_442 = vector.shape_cast %get3A_441 : vector<1x16xf32> to vector<16xf32>
      %add3A_443 = arith.addf %mul3A_438, %get3A_442 : vector<16xf32>
      %swap3A_444 = arith.index_cast %scan3A_416 : i32 to index
      %swap3A_445 = arith.constant 16 : index
      %swap3A_446 = tpu.vector_load %arg14[%swap3A_444, %swap3A_445] {strides = array<i32>} : memref<400x32xf32, #tpu.memory_space<vmem>>, vector<1x16xf32>,
      %swap3A_447 = vector.shape_cast %swap3A_446 : vector<1x16xf32> to vector<16xf32>
      %swap3A_448 = vector.shape_cast %add3A_443 : vector<16xf32> to vector<1x16xf32>
      tpu.vector_store %arg14[%swap3A_444, %swap3A_445], %swap3A_448 {strides = array<i32>} : memref<400x32xf32, #tpu.memory_space<vmem>>, vector<1x16xf32>,
    }
    %scan3A_74 = arith.constant 400 : i32
    %dma_start3A_75 = arith.constant 2400 : i32
    %dma_start3A_76 = tpu.memref_slice %arg6[%dma_start3A_75] : memref<6400xi32, #tpu.memory_space<vmem>> -> memref<400xi32, #tpu.memory_space<vmem>>
    %dma_start3A_77 = arith.constant 0 : i32
    %dma_start3A_78 = arith.constant 0 : i32
    %dma_start3A_79 = tpu.memref_slice %arg4[%dma_start3A_77, %dma_start3A_78] : memref<1000000x32xf32, #tpu.memory_space<hbm>> -> memref<1000000x32xf32, #tpu.memory_space<hbm>>
    tpu.enqueue_indirect_dma source(%dma_start3A_79 : memref<1000000x32xf32, #tpu.memory_space<hbm>>) target(%arg10 : memref<400x32xf32, #tpu.memory_space<vmem>>) offsets(%dma_start3A_76 : memref<400xi32, #tpu.memory_space<vmem>>) semaphore(%arg17 : memref<!tpu.dma_semaphore, #tpu.memory_space<semaphore_mem>>)
    %add3A_80 = arith.constant 800 : i32
    %add3A_81 = arith.addi %mul3A_21, %add3A_80 : i32
    %dma_start3A_82 = arith.constant 0 : i32
    %dma_start3A_83 = tpu.memref_slice %arg5[%add3A_81, %dma_start3A_82] : memref<204800x32xf32, #tpu.memory_space<hbm>> -> memref<400x32xf32, #tpu.memory_space<hbm>>
    %dma_start3A_84 = arith.constant 0 : i32
    %dma_start3A_85 = tpu.memref_slice %arg5[%add3A_81, %dma_start3A_84] : memref<204800x32xf32, #tpu.memory_space<hbm>> -> memref<400x32xf32, #tpu.memory_space<hbm>>
    tpu.enqueue_dma source(%arg14 : memref<400x32xf32, #tpu.memory_space<vmem>>) target(%dma_start3A_85 : memref<400x32xf32, #tpu.memory_space<hbm>>) target_semaphore(%arg21 : memref<!tpu.dma_semaphore, #tpu.memory_space<semaphore_mem>>)
    %dma_wait3A_86 = arith.constant 1200 : i32
    %dma_wait3A_87 = tpu.memref_slice %arg6[%dma_wait3A_86] : memref<6400xi32, #tpu.memory_space<vmem>> -> memref<400xi32, #tpu.memory_space<vmem>>
    %dma_wait3A_88 = arith.constant 0 : i32
    %dma_wait3A_89 = arith.constant 0 : i32
    %dma_wait3A_90 = tpu.memref_slice %arg4[%dma_wait3A_88, %dma_wait3A_89] : memref<1000000x32xf32, #tpu.memory_space<hbm>> -> memref<1000000x32xf32, #tpu.memory_space<hbm>>
    tpu.wait_indirect_dma semaphore(%arg18 : memref<!tpu.dma_semaphore, #tpu.memory_space<semaphore_mem>>) src(%dma_wait3A_90 : memref<1000000x32xf32, #tpu.memory_space<hbm>>) dst(%arg11 : memref<400x32xf32, #tpu.memory_space<vmem>>)
    %dma_wait3A_91 = arith.constant 0 : i32
    %dma_wait3A_92 = tpu.memref_slice %arg5[%add3A_37, %dma_wait3A_91] : memref<204800x32xf32, #tpu.memory_space<hbm>> -> memref<400x32xf32, #tpu.memory_space<hbm>>
    %dma_wait3A_93 = arith.constant 0 : i32
    %dma_wait3A_94 = tpu.memref_slice %arg5[%add3A_37, %dma_wait3A_93] : memref<204800x32xf32, #tpu.memory_space<hbm>> -> memref<400x32xf32, #tpu.memory_space<hbm>>
    tpu.wait_dma2 semaphore(%arg19 : memref<!tpu.dma_semaphore, #tpu.memory_space<semaphore_mem>>) src(%arg12 : memref<400x32xf32, #tpu.memory_space<vmem>>) dst(%dma_wait3A_94 : memref<400x32xf32, #tpu.memory_space<hbm>>)
    %scan3A_95 = arith.constant 0 : i32
    %scan3A_96 = arith.constant 0 : i32
    %scan3A_97 = arith.constant 400 : i32
    %scan3A_98 = arith.addi %scan3A_96, %scan3A_97 : i32
    %scan3A_99 = arith.constant 1 : i32
    scf.for %scan3A_416 = %scan3A_96 to %scan3A_98 step %scan3A_99  : i32 {
      %get3A = arith.index_cast %scan3A_416 : i32 to index
      %get3A_417 = arith.constant 0 : index
      %get3A_418 = tpu.vector_load %arg11[%get3A, %get3A_417] {strides = array<i32>} : memref<400x32xf32, #tpu.memory_space<vmem>>, vector<1x16xf32>,
      %get3A_419 = vector.shape_cast %get3A_418 : vector<1x16xf32> to vector<16xf32>
      %mul3A_420 = arith.constant 5.65685415 : f32
      %mul3A_421 = vector.broadcast %mul3A_420 : f32 to vector<16xf32>
      %mul3A_422 = arith.mulf %get3A_419, %mul3A_421 : vector<16xf32>
      %get3A_423 = arith.index_cast %scan3A_416 : i32 to index
      %get3A_424 = arith.constant 0 : index
      %get3A_425 = tpu.vector_load %arg7[%get3A_423, %get3A_424] {strides = array<i32>} : memref<400x32xf32, #tpu.memory_space<vmem>>, vector<1x16xf32>,
      %get3A_426 = vector.shape_cast %get3A_425 : vector<1x16xf32> to vector<16xf32>
      %add3A_427 = arith.addf %mul3A_422, %get3A_426 : vector<16xf32>
      %swap3A = arith.index_cast %scan3A_416 : i32 to index
      %swap3A_428 = arith.constant 0 : index
      %swap3A_429 = tpu.vector_load %arg12[%swap3A, %swap3A_428] {strides = array<i32>} : memref<400x32xf32, #tpu.memory_space<vmem>>, vector<1x16xf32>,
      %swap3A_430 = vector.shape_cast %swap3A_429 : vector<1x16xf32> to vector<16xf32>
      %swap3A_431 = vector.shape_cast %add3A_427 : vector<16xf32> to vector<1x16xf32>
      tpu.vector_store %arg12[%swap3A, %swap3A_428], %swap3A_431 {strides = array<i32>} : memref<400x32xf32, #tpu.memory_space<vmem>>, vector<1x16xf32>,
      %get3A_432 = arith.index_cast %scan3A_416 : i32 to index
      %get3A_433 = arith.constant 16 : index
      %get3A_434 = tpu.vector_load %arg11[%get3A_432, %get3A_433] {strides = array<i32>} : memref<400x32xf32, #tpu.memory_space<vmem>>, vector<1x16xf32>,
      %get3A_435 = vector.shape_cast %get3A_434 : vector<1x16xf32> to vector<16xf32>
      %mul3A_436 = arith.constant 5.65685415 : f32
      %mul3A_437 = vector.broadcast %mul3A_436 : f32 to vector<16xf32>
      %mul3A_438 = arith.mulf %get3A_435, %mul3A_437 : vector<16xf32>
      %get3A_439 = arith.index_cast %scan3A_416 : i32 to index
      %get3A_440 = arith.constant 16 : index
      %get3A_441 = tpu.vector_load %arg7[%get3A_439, %get3A_440] {strides = array<i32>} : memref<400x32xf32, #tpu.memory_space<vmem>>, vector<1x16xf32>,
      %get3A_442 = vector.shape_cast %get3A_441 : vector<1x16xf32> to vector<16xf32>
      %add3A_443 = arith.addf %mul3A_438, %get3A_442 : vector<16xf32>
      %swap3A_444 = arith.index_cast %scan3A_416 : i32 to index
      %swap3A_445 = arith.constant 16 : index
      %swap3A_446 = tpu.vector_load %arg12[%swap3A_444, %swap3A_445] {strides = array<i32>} : memref<400x32xf32, #tpu.memory_space<vmem>>, vector<1x16xf32>,
      %swap3A_447 = vector.shape_cast %swap3A_446 : vector<1x16xf32> to vector<16xf32>
      %swap3A_448 = vector.shape_cast %add3A_443 : vector<16xf32> to vector<1x16xf32>
      tpu.vector_store %arg12[%swap3A_444, %swap3A_445], %swap3A_448 {strides = array<i32>} : memref<400x32xf32, #tpu.memory_space<vmem>>, vector<1x16xf32>,
    }
    %scan3A_100 = arith.constant 400 : i32
    %dma_start3A_101 = arith.constant 2800 : i32
    %dma_start3A_102 = tpu.memref_slice %arg6[%dma_start3A_101] : memref<6400xi32, #tpu.memory_space<vmem>> -> memref<400xi32, #tpu.memory_space<vmem>>
    %dma_start3A_103 = arith.constant 0 : i32
    %dma_start3A_104 = arith.constant 0 : i32
    %dma_start3A_105 = tpu.memref_slice %arg4[%dma_start3A_103, %dma_start3A_104] : memref<1000000x32xf32, #tpu.memory_space<hbm>> -> memref<1000000x32xf32, #tpu.memory_space<hbm>>
    tpu.enqueue_indirect_dma source(%dma_start3A_105 : memref<1000000x32xf32, #tpu.memory_space<hbm>>) target(%arg11 : memref<400x32xf32, #tpu.memory_space<vmem>>) offsets(%dma_start3A_102 : memref<400xi32, #tpu.memory_space<vmem>>) semaphore(%arg18 : memref<!tpu.dma_semaphore, #tpu.memory_space<semaphore_mem>>)
    %add3A_106 = arith.constant 1200 : i32
    %add3A_107 = arith.addi %mul3A_21, %add3A_106 : i32
    %dma_start3A_108 = arith.constant 0 : i32
    %dma_start3A_109 = tpu.memref_slice %arg5[%add3A_107, %dma_start3A_108] : memref<204800x32xf32, #tpu.memory_space<hbm>> -> memref<400x32xf32, #tpu.memory_space<hbm>>
    %dma_start3A_110 = arith.constant 0 : i32
    %dma_start3A_111 = tpu.memref_slice %arg5[%add3A_107, %dma_start3A_110] : memref<204800x32xf32, #tpu.memory_space<hbm>> -> memref<400x32xf32, #tpu.memory_space<hbm>>
    tpu.enqueue_dma source(%arg12 : memref<400x32xf32, #tpu.memory_space<vmem>>) target(%dma_start3A_111 : memref<400x32xf32, #tpu.memory_space<hbm>>) target_semaphore(%arg19 : memref<!tpu.dma_semaphore, #tpu.memory_space<semaphore_mem>>)
    %dma_wait3A_112 = arith.constant 1600 : i32
    %dma_wait3A_113 = tpu.memref_slice %arg6[%dma_wait3A_112] : memref<6400xi32, #tpu.memory_space<vmem>> -> memref<400xi32, #tpu.memory_space<vmem>>
    %dma_wait3A_114 = arith.constant 0 : i32
    %dma_wait3A_115 = arith.constant 0 : i32
    %dma_wait3A_116 = tpu.memref_slice %arg4[%dma_wait3A_114, %dma_wait3A_115] : memref<1000000x32xf32, #tpu.memory_space<hbm>> -> memref<1000000x32xf32, #tpu.memory_space<hbm>>
    tpu.wait_indirect_dma semaphore(%arg15 : memref<!tpu.dma_semaphore, #tpu.memory_space<semaphore_mem>>) src(%dma_wait3A_116 : memref<1000000x32xf32, #tpu.memory_space<hbm>>) dst(%arg8 : memref<400x32xf32, #tpu.memory_space<vmem>>)
    %dma_wait3A_117 = arith.constant 0 : i32
    %dma_wait3A_118 = tpu.memref_slice %arg5[%add3A_59, %dma_wait3A_117] : memref<204800x32xf32, #tpu.memory_space<hbm>> -> memref<400x32xf32, #tpu.memory_space<hbm>>
    %dma_wait3A_119 = arith.constant 0 : i32
    %dma_wait3A_120 = tpu.memref_slice %arg5[%add3A_59, %dma_wait3A_119] : memref<204800x32xf32, #tpu.memory_space<hbm>> -> memref<400x32xf32, #tpu.memory_space<hbm>>
    tpu.wait_dma2 semaphore(%arg20 : memref<!tpu.dma_semaphore, #tpu.memory_space<semaphore_mem>>) src(%arg13 : memref<400x32xf32, #tpu.memory_space<vmem>>) dst(%dma_wait3A_120 : memref<400x32xf32, #tpu.memory_space<hbm>>)
    %scan3A_121 = arith.constant 0 : i32
    %scan3A_122 = arith.constant 0 : i32
    %scan3A_123 = arith.constant 400 : i32
    %scan3A_124 = arith.addi %scan3A_122, %scan3A_123 : i32
    %scan3A_125 = arith.constant 1 : i32
    scf.for %scan3A_416 = %scan3A_122 to %scan3A_124 step %scan3A_125  : i32 {
      %get3A = arith.index_cast %scan3A_416 : i32 to index
      %get3A_417 = arith.constant 0 : index
      %get3A_418 = tpu.vector_load %arg8[%get3A, %get3A_417] {strides = array<i32>} : memref<400x32xf32, #tpu.memory_space<vmem>>, vector<1x16xf32>,
      %get3A_419 = vector.shape_cast %get3A_418 : vector<1x16xf32> to vector<16xf32>
      %mul3A_420 = arith.constant 5.65685415 : f32
      %mul3A_421 = vector.broadcast %mul3A_420 : f32 to vector<16xf32>
      %mul3A_422 = arith.mulf %get3A_419, %mul3A_421 : vector<16xf32>
      %get3A_423 = arith.index_cast %scan3A_416 : i32 to index
      %get3A_424 = arith.constant 0 : index
      %get3A_425 = tpu.vector_load %arg7[%get3A_423, %get3A_424] {strides = array<i32>} : memref<400x32xf32, #tpu.memory_space<vmem>>, vector<1x16xf32>,
      %get3A_426 = vector.shape_cast %get3A_425 : vector<1x16xf32> to vector<16xf32>
      %add3A_427 = arith.addf %mul3A_422, %get3A_426 : vector<16xf32>
      %swap3A = arith.index_cast %scan3A_416 : i32 to index
      %swap3A_428 = arith.constant 0 : index
      %swap3A_429 = tpu.vector_load %arg13[%swap3A, %swap3A_428] {strides = array<i32>} : memref<400x32xf32, #tpu.memory_space<vmem>>, vector<1x16xf32>,
      %swap3A_430 = vector.shape_cast %swap3A_429 : vector<1x16xf32> to vector<16xf32>
      %swap3A_431 = vector.shape_cast %add3A_427 : vector<16xf32> to vector<1x16xf32>
      tpu.vector_store %arg13[%swap3A, %swap3A_428], %swap3A_431 {strides = array<i32>} : memref<400x32xf32, #tpu.memory_space<vmem>>, vector<1x16xf32>,
      %get3A_432 = arith.index_cast %scan3A_416 : i32 to index
      %get3A_433 = arith.constant 16 : index
      %get3A_434 = tpu.vector_load %arg8[%get3A_432, %get3A_433] {strides = array<i32>} : memref<400x32xf32, #tpu.memory_space<vmem>>, vector<1x16xf32>,
      %get3A_435 = vector.shape_cast %get3A_434 : vector<1x16xf32> to vector<16xf32>
      %mul3A_436 = arith.constant 5.65685415 : f32
      %mul3A_437 = vector.broadcast %mul3A_436 : f32 to vector<16xf32>
      %mul3A_438 = arith.mulf %get3A_435, %mul3A_437 : vector<16xf32>
      %get3A_439 = arith.index_cast %scan3A_416 : i32 to index
      %get3A_440 = arith.constant 16 : index
      %get3A_441 = tpu.vector_load %arg7[%get3A_439, %get3A_440] {strides = array<i32>} : memref<400x32xf32, #tpu.memory_space<vmem>>, vector<1x16xf32>,
      %get3A_442 = vector.shape_cast %get3A_441 : vector<1x16xf32> to vector<16xf32>
      %add3A_443 = arith.addf %mul3A_438, %get3A_442 : vector<16xf32>
      %swap3A_444 = arith.index_cast %scan3A_416 : i32 to index
      %swap3A_445 = arith.constant 16 : index
      %swap3A_446 = tpu.vector_load %arg13[%swap3A_444, %swap3A_445] {strides = array<i32>} : memref<400x32xf32, #tpu.memory_space<vmem>>, vector<1x16xf32>,
      %swap3A_447 = vector.shape_cast %swap3A_446 : vector<1x16xf32> to vector<16xf32>
      %swap3A_448 = vector.shape_cast %add3A_443 : vector<16xf32> to vector<1x16xf32>
      tpu.vector_store %arg13[%swap3A_444, %swap3A_445], %swap3A_448 {strides = array<i32>} : memref<400x32xf32, #tpu.memory_space<vmem>>, vector<1x16xf32>,
    }
    %scan3A_126 = arith.constant 400 : i32
    %dma_start3A_127 = arith.constant 3200 : i32
    %dma_start3A_128 = tpu.memref_slice %arg6[%dma_start3A_127] : memref<6400xi32, #tpu.memory_space<vmem>> -> memref<400xi32, #tpu.memory_space<vmem>>
    %dma_start3A_129 = arith.constant 0 : i32
    %dma_start3A_130 = arith.constant 0 : i32
    %dma_start3A_131 = tpu.memref_slice %arg4[%dma_start3A_129, %dma_start3A_130] : memref<1000000x32xf32, #tpu.memory_space<hbm>> -> memref<1000000x32xf32, #tpu.memory_space<hbm>>
    tpu.enqueue_indirect_dma source(%dma_start3A_131 : memref<1000000x32xf32, #tpu.memory_space<hbm>>) target(%arg8 : memref<400x32xf32, #tpu.memory_space<vmem>>) offsets(%dma_start3A_128 : memref<400xi32, #tpu.memory_space<vmem>>) semaphore(%arg15 : memref<!tpu.dma_semaphore, #tpu.memory_space<semaphore_mem>>)
    %add3A_132 = arith.constant 1600 : i32
    %add3A_133 = arith.addi %mul3A_21, %add3A_132 : i32
    %dma_start3A_134 = arith.constant 0 : i32
    %dma_start3A_135 = tpu.memref_slice %arg5[%add3A_133, %dma_start3A_134] : memref<204800x32xf32, #tpu.memory_space<hbm>> -> memref<400x32xf32, #tpu.memory_space<hbm>>
    %dma_start3A_136 = arith.constant 0 : i32
    %dma_start3A_137 = tpu.memref_slice %arg5[%add3A_133, %dma_start3A_136] : memref<204800x32xf32, #tpu.memory_space<hbm>> -> memref<400x32xf32, #tpu.memory_space<hbm>>
    tpu.enqueue_dma source(%arg13 : memref<400x32xf32, #tpu.memory_space<vmem>>) target(%dma_start3A_137 : memref<400x32xf32, #tpu.memory_space<hbm>>) target_semaphore(%arg20 : memref<!tpu.dma_semaphore, #tpu.memory_space<semaphore_mem>>)
    %dma_wait3A_138 = arith.constant 2000 : i32
    %dma_wait3A_139 = tpu.memref_slice %arg6[%dma_wait3A_138] : memref<6400xi32, #tpu.memory_space<vmem>> -> memref<400xi32, #tpu.memory_space<vmem>>
    %dma_wait3A_140 = arith.constant 0 : i32
    %dma_wait3A_141 = arith.constant 0 : i32
    %dma_wait3A_142 = tpu.memref_slice %arg4[%dma_wait3A_140, %dma_wait3A_141] : memref<1000000x32xf32, #tpu.memory_space<hbm>> -> memref<1000000x32xf32, #tpu.memory_space<hbm>>
    tpu.wait_indirect_dma semaphore(%arg16 : memref<!tpu.dma_semaphore, #tpu.memory_space<semaphore_mem>>) src(%dma_wait3A_142 : memref<1000000x32xf32, #tpu.memory_space<hbm>>) dst(%arg9 : memref<400x32xf32, #tpu.memory_space<vmem>>)
    %dma_wait3A_143 = arith.constant 0 : i32
    %dma_wait3A_144 = tpu.memref_slice %arg5[%add3A_81, %dma_wait3A_143] : memref<204800x32xf32, #tpu.memory_space<hbm>> -> memref<400x32xf32, #tpu.memory_space<hbm>>
    %dma_wait3A_145 = arith.constant 0 : i32
    %dma_wait3A_146 = tpu.memref_slice %arg5[%add3A_81, %dma_wait3A_145] : memref<204800x32xf32, #tpu.memory_space<hbm>> -> memref<400x32xf32, #tpu.memory_space<hbm>>
    tpu.wait_dma2 semaphore(%arg21 : memref<!tpu.dma_semaphore, #tpu.memory_space<semaphore_mem>>) src(%arg14 : memref<400x32xf32, #tpu.memory_space<vmem>>) dst(%dma_wait3A_146 : memref<400x32xf32, #tpu.memory_space<hbm>>)
    %scan3A_147 = arith.constant 0 : i32
    %scan3A_148 = arith.constant 0 : i32
    %scan3A_149 = arith.constant 400 : i32
    %scan3A_150 = arith.addi %scan3A_148, %scan3A_149 : i32
    %scan3A_151 = arith.constant 1 : i32
    scf.for %scan3A_416 = %scan3A_148 to %scan3A_150 step %scan3A_151  : i32 {
      %get3A = arith.index_cast %scan3A_416 : i32 to index
      %get3A_417 = arith.constant 0 : index
      %get3A_418 = tpu.vector_load %arg9[%get3A, %get3A_417] {strides = array<i32>} : memref<400x32xf32, #tpu.memory_space<vmem>>, vector<1x16xf32>,
      %get3A_419 = vector.shape_cast %get3A_418 : vector<1x16xf32> to vector<16xf32>
      %mul3A_420 = arith.constant 5.65685415 : f32
      %mul3A_421 = vector.broadcast %mul3A_420 : f32 to vector<16xf32>
      %mul3A_422 = arith.mulf %get3A_419, %mul3A_421 : vector<16xf32>
      %get3A_423 = arith.index_cast %scan3A_416 : i32 to index
      %get3A_424 = arith.constant 0 : index
      %get3A_425 = tpu.vector_load %arg7[%get3A_423, %get3A_424] {strides = array<i32>} : memref<400x32xf32, #tpu.memory_space<vmem>>, vector<1x16xf32>,
      %get3A_426 = vector.shape_cast %get3A_425 : vector<1x16xf32> to vector<16xf32>
      %add3A_427 = arith.addf %mul3A_422, %get3A_426 : vector<16xf32>
      %swap3A = arith.index_cast %scan3A_416 : i32 to index
      %swap3A_428 = arith.constant 0 : index
      %swap3A_429 = tpu.vector_load %arg14[%swap3A, %swap3A_428] {strides = array<i32>} : memref<400x32xf32, #tpu.memory_space<vmem>>, vector<1x16xf32>,
      %swap3A_430 = vector.shape_cast %swap3A_429 : vector<1x16xf32> to vector<16xf32>
      %swap3A_431 = vector.shape_cast %add3A_427 : vector<16xf32> to vector<1x16xf32>
      tpu.vector_store %arg14[%swap3A, %swap3A_428], %swap3A_431 {strides = array<i32>} : memref<400x32xf32, #tpu.memory_space<vmem>>, vector<1x16xf32>,
      %get3A_432 = arith.index_cast %scan3A_416 : i32 to index
      %get3A_433 = arith.constant 16 : index
      %get3A_434 = tpu.vector_load %arg9[%get3A_432, %get3A_433] {strides = array<i32>} : memref<400x32xf32, #tpu.memory_space<vmem>>, vector<1x16xf32>,
      %get3A_435 = vector.shape_cast %get3A_434 : vector<1x16xf32> to vector<16xf32>
      %mul3A_436 = arith.constant 5.65685415 : f32
      %mul3A_437 = vector.broadcast %mul3A_436 : f32 to vector<16xf32>
      %mul3A_438 = arith.mulf %get3A_435, %mul3A_437 : vector<16xf32>
      %get3A_439 = arith.index_cast %scan3A_416 : i32 to index
      %get3A_440 = arith.constant 16 : index
      %get3A_441 = tpu.vector_load %arg7[%get3A_439, %get3A_440] {strides = array<i32>} : memref<400x32xf32, #tpu.memory_space<vmem>>, vector<1x16xf32>,
      %get3A_442 = vector.shape_cast %get3A_441 : vector<1x16xf32> to vector<16xf32>
      %add3A_443 = arith.addf %mul3A_438, %get3A_442 : vector<16xf32>
      %swap3A_444 = arith.index_cast %scan3A_416 : i32 to index
      %swap3A_445 = arith.constant 16 : index
      %swap3A_446 = tpu.vector_load %arg14[%swap3A_444, %swap3A_445] {strides = array<i32>} : memref<400x32xf32, #tpu.memory_space<vmem>>, vector<1x16xf32>,
      %swap3A_447 = vector.shape_cast %swap3A_446 : vector<1x16xf32> to vector<16xf32>
      %swap3A_448 = vector.shape_cast %add3A_443 : vector<16xf32> to vector<1x16xf32>
      tpu.vector_store %arg14[%swap3A_444, %swap3A_445], %swap3A_448 {strides = array<i32>} : memref<400x32xf32, #tpu.memory_space<vmem>>, vector<1x16xf32>,
    }
    %scan3A_152 = arith.constant 400 : i32
    %dma_start3A_153 = arith.constant 3600 : i32
    %dma_start3A_154 = tpu.memref_slice %arg6[%dma_start3A_153] : memref<6400xi32, #tpu.memory_space<vmem>> -> memref<400xi32, #tpu.memory_space<vmem>>
    %dma_start3A_155 = arith.constant 0 : i32
    %dma_start3A_156 = arith.constant 0 : i32
    %dma_start3A_157 = tpu.memref_slice %arg4[%dma_start3A_155, %dma_start3A_156] : memref<1000000x32xf32, #tpu.memory_space<hbm>> -> memref<1000000x32xf32, #tpu.memory_space<hbm>>
    tpu.enqueue_indirect_dma source(%dma_start3A_157 : memref<1000000x32xf32, #tpu.memory_space<hbm>>) target(%arg9 : memref<400x32xf32, #tpu.memory_space<vmem>>) offsets(%dma_start3A_154 : memref<400xi32, #tpu.memory_space<vmem>>) semaphore(%arg16 : memref<!tpu.dma_semaphore, #tpu.memory_space<semaphore_mem>>)
    %add3A_158 = arith.constant 2000 : i32
    %add3A_159 = arith.addi %mul3A_21, %add3A_158 : i32
    %dma_start3A_160 = arith.constant 0 : i32
    %dma_start3A_161 = tpu.memref_slice %arg5[%add3A_159, %dma_start3A_160] : memref<204800x32xf32, #tpu.memory_space<hbm>> -> memref<400x32xf32, #tpu.memory_space<hbm>>
    %dma_start3A_162 = arith.constant 0 : i32
    %dma_start3A_163 = tpu.memref_slice %arg5[%add3A_159, %dma_start3A_162] : memref<204800x32xf32, #tpu.memory_space<hbm>> -> memref<400x32xf32, #tpu.memory_space<hbm>>
    tpu.enqueue_dma source(%arg14 : memref<400x32xf32, #tpu.memory_space<vmem>>) target(%dma_start3A_163 : memref<400x32xf32, #tpu.memory_space<hbm>>) target_semaphore(%arg21 : memref<!tpu.dma_semaphore, #tpu.memory_space<semaphore_mem>>)
    %dma_wait3A_164 = arith.constant 2400 : i32
    %dma_wait3A_165 = tpu.memref_slice %arg6[%dma_wait3A_164] : memref<6400xi32, #tpu.memory_space<vmem>> -> memref<400xi32, #tpu.memory_space<vmem>>
    %dma_wait3A_166 = arith.constant 0 : i32
    %dma_wait3A_167 = arith.constant 0 : i32
    %dma_wait3A_168 = tpu.memref_slice %arg4[%dma_wait3A_166, %dma_wait3A_167] : memref<1000000x32xf32, #tpu.memory_space<hbm>> -> memref<1000000x32xf32, #tpu.memory_space<hbm>>
    tpu.wait_indirect_dma semaphore(%arg17 : memref<!tpu.dma_semaphore, #tpu.memory_space<semaphore_mem>>) src(%dma_wait3A_168 : memref<1000000x32xf32, #tpu.memory_space<hbm>>) dst(%arg10 : memref<400x32xf32, #tpu.memory_space<vmem>>)
    %dma_wait3A_169 = arith.constant 0 : i32
    %dma_wait3A_170 = tpu.memref_slice %arg5[%add3A_107, %dma_wait3A_169] : memref<204800x32xf32, #tpu.memory_space<hbm>> -> memref<400x32xf32, #tpu.memory_space<hbm>>
    %dma_wait3A_171 = arith.constant 0 : i32
    %dma_wait3A_172 = tpu.memref_slice %arg5[%add3A_107, %dma_wait3A_171] : memref<204800x32xf32, #tpu.memory_space<hbm>> -> memref<400x32xf32, #tpu.memory_space<hbm>>
    tpu.wait_dma2 semaphore(%arg19 : memref<!tpu.dma_semaphore, #tpu.memory_space<semaphore_mem>>) src(%arg12 : memref<400x32xf32, #tpu.memory_space<vmem>>) dst(%dma_wait3A_172 : memref<400x32xf32, #tpu.memory_space<hbm>>)
    %scan3A_173 = arith.constant 0 : i32
    %scan3A_174 = arith.constant 0 : i32
    %scan3A_175 = arith.constant 400 : i32
    %scan3A_176 = arith.addi %scan3A_174, %scan3A_175 : i32
    %scan3A_177 = arith.constant 1 : i32
    scf.for %scan3A_416 = %scan3A_174 to %scan3A_176 step %scan3A_177  : i32 {
      %get3A = arith.index_cast %scan3A_416 : i32 to index
      %get3A_417 = arith.constant 0 : index
      %get3A_418 = tpu.vector_load %arg10[%get3A, %get3A_417] {strides = array<i32>} : memref<400x32xf32, #tpu.memory_space<vmem>>, vector<1x16xf32>,
      %get3A_419 = vector.shape_cast %get3A_418 : vector<1x16xf32> to vector<16xf32>
      %mul3A_420 = arith.constant 5.65685415 : f32
      %mul3A_421 = vector.broadcast %mul3A_420 : f32 to vector<16xf32>
      %mul3A_422 = arith.mulf %get3A_419, %mul3A_421 : vector<16xf32>
      %get3A_423 = arith.index_cast %scan3A_416 : i32 to index
      %get3A_424 = arith.constant 0 : index
      %get3A_425 = tpu.vector_load %arg7[%get3A_423, %get3A_424] {strides = array<i32>} : memref<400x32xf32, #tpu.memory_space<vmem>>, vector<1x16xf32>,
      %get3A_426 = vector.shape_cast %get3A_425 : vector<1x16xf32> to vector<16xf32>
      %add3A_427 = arith.addf %mul3A_422, %get3A_426 : vector<16xf32>
      %swap3A = arith.index_cast %scan3A_416 : i32 to index
      %swap3A_428 = arith.constant 0 : index
      %swap3A_429 = tpu.vector_load %arg12[%swap3A, %swap3A_428] {strides = array<i32>} : memref<400x32xf32, #tpu.memory_space<vmem>>, vector<1x16xf32>,
      %swap3A_430 = vector.shape_cast %swap3A_429 : vector<1x16xf32> to vector<16xf32>
      %swap3A_431 = vector.shape_cast %add3A_427 : vector<16xf32> to vector<1x16xf32>
      tpu.vector_store %arg12[%swap3A, %swap3A_428], %swap3A_431 {strides = array<i32>} : memref<400x32xf32, #tpu.memory_space<vmem>>, vector<1x16xf32>,
      %get3A_432 = arith.index_cast %scan3A_416 : i32 to index
      %get3A_433 = arith.constant 16 : index
      %get3A_434 = tpu.vector_load %arg10[%get3A_432, %get3A_433] {strides = array<i32>} : memref<400x32xf32, #tpu.memory_space<vmem>>, vector<1x16xf32>,
      %get3A_435 = vector.shape_cast %get3A_434 : vector<1x16xf32> to vector<16xf32>
      %mul3A_436 = arith.constant 5.65685415 : f32
      %mul3A_437 = vector.broadcast %mul3A_436 : f32 to vector<16xf32>
      %mul3A_438 = arith.mulf %get3A_435, %mul3A_437 : vector<16xf32>
      %get3A_439 = arith.index_cast %scan3A_416 : i32 to index
      %get3A_440 = arith.constant 16 : index
      %get3A_441 = tpu.vector_load %arg7[%get3A_439, %get3A_440] {strides = array<i32>} : memref<400x32xf32, #tpu.memory_space<vmem>>, vector<1x16xf32>,
      %get3A_442 = vector.shape_cast %get3A_441 : vector<1x16xf32> to vector<16xf32>
      %add3A_443 = arith.addf %mul3A_438, %get3A_442 : vector<16xf32>
      %swap3A_444 = arith.index_cast %scan3A_416 : i32 to index
      %swap3A_445 = arith.constant 16 : index
      %swap3A_446 = tpu.vector_load %arg12[%swap3A_444, %swap3A_445] {strides = array<i32>} : memref<400x32xf32, #tpu.memory_space<vmem>>, vector<1x16xf32>,
      %swap3A_447 = vector.shape_cast %swap3A_446 : vector<1x16xf32> to vector<16xf32>
      %swap3A_448 = vector.shape_cast %add3A_443 : vector<16xf32> to vector<1x16xf32>
      tpu.vector_store %arg12[%swap3A_444, %swap3A_445], %swap3A_448 {strides = array<i32>} : memref<400x32xf32, #tpu.memory_space<vmem>>, vector<1x16xf32>,
    }
    %scan3A_178 = arith.constant 400 : i32
    %dma_start3A_179 = arith.constant 4000 : i32
    %dma_start3A_180 = tpu.memref_slice %arg6[%dma_start3A_179] : memref<6400xi32, #tpu.memory_space<vmem>> -> memref<400xi32, #tpu.memory_space<vmem>>
    %dma_start3A_181 = arith.constant 0 : i32
    %dma_start3A_182 = arith.constant 0 : i32
    %dma_start3A_183 = tpu.memref_slice %arg4[%dma_start3A_181, %dma_start3A_182] : memref<1000000x32xf32, #tpu.memory_space<hbm>> -> memref<1000000x32xf32, #tpu.memory_space<hbm>>
    tpu.enqueue_indirect_dma source(%dma_start3A_183 : memref<1000000x32xf32, #tpu.memory_space<hbm>>) target(%arg10 : memref<400x32xf32, #tpu.memory_space<vmem>>) offsets(%dma_start3A_180 : memref<400xi32, #tpu.memory_space<vmem>>) semaphore(%arg17 : memref<!tpu.dma_semaphore, #tpu.memory_space<semaphore_mem>>)
    %add3A_184 = arith.constant 2400 : i32
    %add3A_185 = arith.addi %mul3A_21, %add3A_184 : i32
    %dma_start3A_186 = arith.constant 0 : i32
    %dma_start3A_187 = tpu.memref_slice %arg5[%add3A_185, %dma_start3A_186] : memref<204800x32xf32, #tpu.memory_space<hbm>> -> memref<400x32xf32, #tpu.memory_space<hbm>>
    %dma_start3A_188 = arith.constant 0 : i32
    %dma_start3A_189 = tpu.memref_slice %arg5[%add3A_185, %dma_start3A_188] : memref<204800x32xf32, #tpu.memory_space<hbm>> -> memref<400x32xf32, #tpu.memory_space<hbm>>
    tpu.enqueue_dma source(%arg12 : memref<400x32xf32, #tpu.memory_space<vmem>>) target(%dma_start3A_189 : memref<400x32xf32, #tpu.memory_space<hbm>>) target_semaphore(%arg19 : memref<!tpu.dma_semaphore, #tpu.memory_space<semaphore_mem>>)
    %dma_wait3A_190 = arith.constant 2800 : i32
    %dma_wait3A_191 = tpu.memref_slice %arg6[%dma_wait3A_190] : memref<6400xi32, #tpu.memory_space<vmem>> -> memref<400xi32, #tpu.memory_space<vmem>>
    %dma_wait3A_192 = arith.constant 0 : i32
    %dma_wait3A_193 = arith.constant 0 : i32
    %dma_wait3A_194 = tpu.memref_slice %arg4[%dma_wait3A_192, %dma_wait3A_193] : memref<1000000x32xf32, #tpu.memory_space<hbm>> -> memref<1000000x32xf32, #tpu.memory_space<hbm>>
    tpu.wait_indirect_dma semaphore(%arg18 : memref<!tpu.dma_semaphore, #tpu.memory_space<semaphore_mem>>) src(%dma_wait3A_194 : memref<1000000x32xf32, #tpu.memory_space<hbm>>) dst(%arg11 : memref<400x32xf32, #tpu.memory_space<vmem>>)
    %dma_wait3A_195 = arith.constant 0 : i32
    %dma_wait3A_196 = tpu.memref_slice %arg5[%add3A_133, %dma_wait3A_195] : memref<204800x32xf32, #tpu.memory_space<hbm>> -> memref<400x32xf32, #tpu.memory_space<hbm>>
    %dma_wait3A_197 = arith.constant 0 : i32
    %dma_wait3A_198 = tpu.memref_slice %arg5[%add3A_133, %dma_wait3A_197] : memref<204800x32xf32, #tpu.memory_space<hbm>> -> memref<400x32xf32, #tpu.memory_space<hbm>>
    tpu.wait_dma2 semaphore(%arg20 : memref<!tpu.dma_semaphore, #tpu.memory_space<semaphore_mem>>) src(%arg13 : memref<400x32xf32, #tpu.memory_space<vmem>>) dst(%dma_wait3A_198 : memref<400x32xf32, #tpu.memory_space<hbm>>)
    %scan3A_199 = arith.constant 0 : i32
    %scan3A_200 = arith.constant 0 : i32
    %scan3A_201 = arith.constant 400 : i32
    %scan3A_202 = arith.addi %scan3A_200, %scan3A_201 : i32
    %scan3A_203 = arith.constant 1 : i32
    scf.for %scan3A_416 = %scan3A_200 to %scan3A_202 step %scan3A_203  : i32 {
      %get3A = arith.index_cast %scan3A_416 : i32 to index
      %get3A_417 = arith.constant 0 : index
      %get3A_418 = tpu.vector_load %arg11[%get3A, %get3A_417] {strides = array<i32>} : memref<400x32xf32, #tpu.memory_space<vmem>>, vector<1x16xf32>,
      %get3A_419 = vector.shape_cast %get3A_418 : vector<1x16xf32> to vector<16xf32>
      %mul3A_420 = arith.constant 5.65685415 : f32
      %mul3A_421 = vector.broadcast %mul3A_420 : f32 to vector<16xf32>
      %mul3A_422 = arith.mulf %get3A_419, %mul3A_421 : vector<16xf32>
      %get3A_423 = arith.index_cast %scan3A_416 : i32 to index
      %get3A_424 = arith.constant 0 : index
      %get3A_425 = tpu.vector_load %arg7[%get3A_423, %get3A_424] {strides = array<i32>} : memref<400x32xf32, #tpu.memory_space<vmem>>, vector<1x16xf32>,
      %get3A_426 = vector.shape_cast %get3A_425 : vector<1x16xf32> to vector<16xf32>
      %add3A_427 = arith.addf %mul3A_422, %get3A_426 : vector<16xf32>
      %swap3A = arith.index_cast %scan3A_416 : i32 to index
      %swap3A_428 = arith.constant 0 : index
      %swap3A_429 = tpu.vector_load %arg13[%swap3A, %swap3A_428] {strides = array<i32>} : memref<400x32xf32, #tpu.memory_space<vmem>>, vector<1x16xf32>,
      %swap3A_430 = vector.shape_cast %swap3A_429 : vector<1x16xf32> to vector<16xf32>
      %swap3A_431 = vector.shape_cast %add3A_427 : vector<16xf32> to vector<1x16xf32>
      tpu.vector_store %arg13[%swap3A, %swap3A_428], %swap3A_431 {strides = array<i32>} : memref<400x32xf32, #tpu.memory_space<vmem>>, vector<1x16xf32>,
      %get3A_432 = arith.index_cast %scan3A_416 : i32 to index
      %get3A_433 = arith.constant 16 : index
      %get3A_434 = tpu.vector_load %arg11[%get3A_432, %get3A_433] {strides = array<i32>} : memref<400x32xf32, #tpu.memory_space<vmem>>, vector<1x16xf32>,
      %get3A_435 = vector.shape_cast %get3A_434 : vector<1x16xf32> to vector<16xf32>
      %mul3A_436 = arith.constant 5.65685415 : f32
      %mul3A_437 = vector.broadcast %mul3A_436 : f32 to vector<16xf32>
      %mul3A_438 = arith.mulf %get3A_435, %mul3A_437 : vector<16xf32>
      %get3A_439 = arith.index_cast %scan3A_416 : i32 to index
      %get3A_440 = arith.constant 16 : index
      %get3A_441 = tpu.vector_load %arg7[%get3A_439, %get3A_440] {strides = array<i32>} : memref<400x32xf32, #tpu.memory_space<vmem>>, vector<1x16xf32>,
      %get3A_442 = vector.shape_cast %get3A_441 : vector<1x16xf32> to vector<16xf32>
      %add3A_443 = arith.addf %mul3A_438, %get3A_442 : vector<16xf32>
      %swap3A_444 = arith.index_cast %scan3A_416 : i32 to index
      %swap3A_445 = arith.constant 16 : index
      %swap3A_446 = tpu.vector_load %arg13[%swap3A_444, %swap3A_445] {strides = array<i32>} : memref<400x32xf32, #tpu.memory_space<vmem>>, vector<1x16xf32>,
      %swap3A_447 = vector.shape_cast %swap3A_446 : vector<1x16xf32> to vector<16xf32>
      %swap3A_448 = vector.shape_cast %add3A_443 : vector<16xf32> to vector<1x16xf32>
      tpu.vector_store %arg13[%swap3A_444, %swap3A_445], %swap3A_448 {strides = array<i32>} : memref<400x32xf32, #tpu.memory_space<vmem>>, vector<1x16xf32>,
    }
    %scan3A_204 = arith.constant 400 : i32
    %dma_start3A_205 = arith.constant 4400 : i32
    %dma_start3A_206 = tpu.memref_slice %arg6[%dma_start3A_205] : memref<6400xi32, #tpu.memory_space<vmem>> -> memref<400xi32, #tpu.memory_space<vmem>>
    %dma_start3A_207 = arith.constant 0 : i32
    %dma_start3A_208 = arith.constant 0 : i32
    %dma_start3A_209 = tpu.memref_slice %arg4[%dma_start3A_207, %dma_start3A_208] : memref<1000000x32xf32, #tpu.memory_space<hbm>> -> memref<1000000x32xf32, #tpu.memory_space<hbm>>
    tpu.enqueue_indirect_dma source(%dma_start3A_209 : memref<1000000x32xf32, #tpu.memory_space<hbm>>) target(%arg11 : memref<400x32xf32, #tpu.memory_space<vmem>>) offsets(%dma_start3A_206 : memref<400xi32, #tpu.memory_space<vmem>>) semaphore(%arg18 : memref<!tpu.dma_semaphore, #tpu.memory_space<semaphore_mem>>)
    %add3A_210 = arith.constant 2800 : i32
    %add3A_211 = arith.addi %mul3A_21, %add3A_210 : i32
    %dma_start3A_212 = arith.constant 0 : i32
    %dma_start3A_213 = tpu.memref_slice %arg5[%add3A_211, %dma_start3A_212] : memref<204800x32xf32, #tpu.memory_space<hbm>> -> memref<400x32xf32, #tpu.memory_space<hbm>>
    %dma_start3A_214 = arith.constant 0 : i32
    %dma_start3A_215 = tpu.memref_slice %arg5[%add3A_211, %dma_start3A_214] : memref<204800x32xf32, #tpu.memory_space<hbm>> -> memref<400x32xf32, #tpu.memory_space<hbm>>
    tpu.enqueue_dma source(%arg13 : memref<400x32xf32, #tpu.memory_space<vmem>>) target(%dma_start3A_215 : memref<400x32xf32, #tpu.memory_space<hbm>>) target_semaphore(%arg20 : memref<!tpu.dma_semaphore, #tpu.memory_space<semaphore_mem>>)
    %dma_wait3A_216 = arith.constant 3200 : i32
    %dma_wait3A_217 = tpu.memref_slice %arg6[%dma_wait3A_216] : memref<6400xi32, #tpu.memory_space<vmem>> -> memref<400xi32, #tpu.memory_space<vmem>>
    %dma_wait3A_218 = arith.constant 0 : i32
    %dma_wait3A_219 = arith.constant 0 : i32
    %dma_wait3A_220 = tpu.memref_slice %arg4[%dma_wait3A_218, %dma_wait3A_219] : memref<1000000x32xf32, #tpu.memory_space<hbm>> -> memref<1000000x32xf32, #tpu.memory_space<hbm>>
    tpu.wait_indirect_dma semaphore(%arg15 : memref<!tpu.dma_semaphore, #tpu.memory_space<semaphore_mem>>) src(%dma_wait3A_220 : memref<1000000x32xf32, #tpu.memory_space<hbm>>) dst(%arg8 : memref<400x32xf32, #tpu.memory_space<vmem>>)
    %dma_wait3A_221 = arith.constant 0 : i32
    %dma_wait3A_222 = tpu.memref_slice %arg5[%add3A_159, %dma_wait3A_221] : memref<204800x32xf32, #tpu.memory_space<hbm>> -> memref<400x32xf32, #tpu.memory_space<hbm>>
    %dma_wait3A_223 = arith.constant 0 : i32
    %dma_wait3A_224 = tpu.memref_slice %arg5[%add3A_159, %dma_wait3A_223] : memref<204800x32xf32, #tpu.memory_space<hbm>> -> memref<400x32xf32, #tpu.memory_space<hbm>>
    tpu.wait_dma2 semaphore(%arg21 : memref<!tpu.dma_semaphore, #tpu.memory_space<semaphore_mem>>) src(%arg14 : memref<400x32xf32, #tpu.memory_space<vmem>>) dst(%dma_wait3A_224 : memref<400x32xf32, #tpu.memory_space<hbm>>)
    %scan3A_225 = arith.constant 0 : i32
    %scan3A_226 = arith.constant 0 : i32
    %scan3A_227 = arith.constant 400 : i32
    %scan3A_228 = arith.addi %scan3A_226, %scan3A_227 : i32
    %scan3A_229 = arith.constant 1 : i32
    scf.for %scan3A_416 = %scan3A_226 to %scan3A_228 step %scan3A_229  : i32 {
      %get3A = arith.index_cast %scan3A_416 : i32 to index
      %get3A_417 = arith.constant 0 : index
      %get3A_418 = tpu.vector_load %arg8[%get3A, %get3A_417] {strides = array<i32>} : memref<400x32xf32, #tpu.memory_space<vmem>>, vector<1x16xf32>,
      %get3A_419 = vector.shape_cast %get3A_418 : vector<1x16xf32> to vector<16xf32>
      %mul3A_420 = arith.constant 5.65685415 : f32
      %mul3A_421 = vector.broadcast %mul3A_420 : f32 to vector<16xf32>
      %mul3A_422 = arith.mulf %get3A_419, %mul3A_421 : vector<16xf32>
      %get3A_423 = arith.index_cast %scan3A_416 : i32 to index
      %get3A_424 = arith.constant 0 : index
      %get3A_425 = tpu.vector_load %arg7[%get3A_423, %get3A_424] {strides = array<i32>} : memref<400x32xf32, #tpu.memory_space<vmem>>, vector<1x16xf32>,
      %get3A_426 = vector.shape_cast %get3A_425 : vector<1x16xf32> to vector<16xf32>
      %add3A_427 = arith.addf %mul3A_422, %get3A_426 : vector<16xf32>
      %swap3A = arith.index_cast %scan3A_416 : i32 to index
      %swap3A_428 = arith.constant 0 : index
      %swap3A_429 = tpu.vector_load %arg14[%swap3A, %swap3A_428] {strides = array<i32>} : memref<400x32xf32, #tpu.memory_space<vmem>>, vector<1x16xf32>,
      %swap3A_430 = vector.shape_cast %swap3A_429 : vector<1x16xf32> to vector<16xf32>
      %swap3A_431 = vector.shape_cast %add3A_427 : vector<16xf32> to vector<1x16xf32>
      tpu.vector_store %arg14[%swap3A, %swap3A_428], %swap3A_431 {strides = array<i32>} : memref<400x32xf32, #tpu.memory_space<vmem>>, vector<1x16xf32>,
      %get3A_432 = arith.index_cast %scan3A_416 : i32 to index
      %get3A_433 = arith.constant 16 : index
      %get3A_434 = tpu.vector_load %arg8[%get3A_432, %get3A_433] {strides = array<i32>} : memref<400x32xf32, #tpu.memory_space<vmem>>, vector<1x16xf32>,
      %get3A_435 = vector.shape_cast %get3A_434 : vector<1x16xf32> to vector<16xf32>
      %mul3A_436 = arith.constant 5.65685415 : f32
      %mul3A_437 = vector.broadcast %mul3A_436 : f32 to vector<16xf32>
      %mul3A_438 = arith.mulf %get3A_435, %mul3A_437 : vector<16xf32>
      %get3A_439 = arith.index_cast %scan3A_416 : i32 to index
      %get3A_440 = arith.constant 16 : index
      %get3A_441 = tpu.vector_load %arg7[%get3A_439, %get3A_440] {strides = array<i32>} : memref<400x32xf32, #tpu.memory_space<vmem>>, vector<1x16xf32>,
      %get3A_442 = vector.shape_cast %get3A_441 : vector<1x16xf32> to vector<16xf32>
      %add3A_443 = arith.addf %mul3A_438, %get3A_442 : vector<16xf32>
      %swap3A_444 = arith.index_cast %scan3A_416 : i32 to index
      %swap3A_445 = arith.constant 16 : index
      %swap3A_446 = tpu.vector_load %arg14[%swap3A_444, %swap3A_445] {strides = array<i32>} : memref<400x32xf32, #tpu.memory_space<vmem>>, vector<1x16xf32>,
      %swap3A_447 = vector.shape_cast %swap3A_446 : vector<1x16xf32> to vector<16xf32>
      %swap3A_448 = vector.shape_cast %add3A_443 : vector<16xf32> to vector<1x16xf32>
      tpu.vector_store %arg14[%swap3A_444, %swap3A_445], %swap3A_448 {strides = array<i32>} : memref<400x32xf32, #tpu.memory_space<vmem>>, vector<1x16xf32>,
    }
    %scan3A_230 = arith.constant 400 : i32
    %dma_start3A_231 = arith.constant 4800 : i32
    %dma_start3A_232 = tpu.memref_slice %arg6[%dma_start3A_231] : memref<6400xi32, #tpu.memory_space<vmem>> -> memref<400xi32, #tpu.memory_space<vmem>>
    %dma_start3A_233 = arith.constant 0 : i32
    %dma_start3A_234 = arith.constant 0 : i32
    %dma_start3A_235 = tpu.memref_slice %arg4[%dma_start3A_233, %dma_start3A_234] : memref<1000000x32xf32, #tpu.memory_space<hbm>> -> memref<1000000x32xf32, #tpu.memory_space<hbm>>
    tpu.enqueue_indirect_dma source(%dma_start3A_235 : memref<1000000x32xf32, #tpu.memory_space<hbm>>) target(%arg8 : memref<400x32xf32, #tpu.memory_space<vmem>>) offsets(%dma_start3A_232 : memref<400xi32, #tpu.memory_space<vmem>>) semaphore(%arg15 : memref<!tpu.dma_semaphore, #tpu.memory_space<semaphore_mem>>)
    %add3A_236 = arith.constant 3200 : i32
    %add3A_237 = arith.addi %mul3A_21, %add3A_236 : i32
    %dma_start3A_238 = arith.constant 0 : i32
    %dma_start3A_239 = tpu.memref_slice %arg5[%add3A_237, %dma_start3A_238] : memref<204800x32xf32, #tpu.memory_space<hbm>> -> memref<400x32xf32, #tpu.memory_space<hbm>>
    %dma_start3A_240 = arith.constant 0 : i32
    %dma_start3A_241 = tpu.memref_slice %arg5[%add3A_237, %dma_start3A_240] : memref<204800x32xf32, #tpu.memory_space<hbm>> -> memref<400x32xf32, #tpu.memory_space<hbm>>
    tpu.enqueue_dma source(%arg14 : memref<400x32xf32, #tpu.memory_space<vmem>>) target(%dma_start3A_241 : memref<400x32xf32, #tpu.memory_space<hbm>>) target_semaphore(%arg21 : memref<!tpu.dma_semaphore, #tpu.memory_space<semaphore_mem>>)
    %dma_wait3A_242 = arith.constant 3600 : i32
    %dma_wait3A_243 = tpu.memref_slice %arg6[%dma_wait3A_242] : memref<6400xi32, #tpu.memory_space<vmem>> -> memref<400xi32, #tpu.memory_space<vmem>>
    %dma_wait3A_244 = arith.constant 0 : i32
    %dma_wait3A_245 = arith.constant 0 : i32
    %dma_wait3A_246 = tpu.memref_slice %arg4[%dma_wait3A_244, %dma_wait3A_245] : memref<1000000x32xf32, #tpu.memory_space<hbm>> -> memref<1000000x32xf32, #tpu.memory_space<hbm>>
    tpu.wait_indirect_dma semaphore(%arg16 : memref<!tpu.dma_semaphore, #tpu.memory_space<semaphore_mem>>) src(%dma_wait3A_246 : memref<1000000x32xf32, #tpu.memory_space<hbm>>) dst(%arg9 : memref<400x32xf32, #tpu.memory_space<vmem>>)
    %dma_wait3A_247 = arith.constant 0 : i32
    %dma_wait3A_248 = tpu.memref_slice %arg5[%add3A_185, %dma_wait3A_247] : memref<204800x32xf32, #tpu.memory_space<hbm>> -> memref<400x32xf32, #tpu.memory_space<hbm>>
    %dma_wait3A_249 = arith.constant 0 : i32
    %dma_wait3A_250 = tpu.memref_slice %arg5[%add3A_185, %dma_wait3A_249] : memref<204800x32xf32, #tpu.memory_space<hbm>> -> memref<400x32xf32, #tpu.memory_space<hbm>>
    tpu.wait_dma2 semaphore(%arg19 : memref<!tpu.dma_semaphore, #tpu.memory_space<semaphore_mem>>) src(%arg12 : memref<400x32xf32, #tpu.memory_space<vmem>>) dst(%dma_wait3A_250 : memref<400x32xf32, #tpu.memory_space<hbm>>)
    %scan3A_251 = arith.constant 0 : i32
    %scan3A_252 = arith.constant 0 : i32
    %scan3A_253 = arith.constant 400 : i32
    %scan3A_254 = arith.addi %scan3A_252, %scan3A_253 : i32
    %scan3A_255 = arith.constant 1 : i32
    scf.for %scan3A_416 = %scan3A_252 to %scan3A_254 step %scan3A_255  : i32 {
      %get3A = arith.index_cast %scan3A_416 : i32 to index
      %get3A_417 = arith.constant 0 : index
      %get3A_418 = tpu.vector_load %arg9[%get3A, %get3A_417] {strides = array<i32>} : memref<400x32xf32, #tpu.memory_space<vmem>>, vector<1x16xf32>,
      %get3A_419 = vector.shape_cast %get3A_418 : vector<1x16xf32> to vector<16xf32>
      %mul3A_420 = arith.constant 5.65685415 : f32
      %mul3A_421 = vector.broadcast %mul3A_420 : f32 to vector<16xf32>
      %mul3A_422 = arith.mulf %get3A_419, %mul3A_421 : vector<16xf32>
      %get3A_423 = arith.index_cast %scan3A_416 : i32 to index
      %get3A_424 = arith.constant 0 : index
      %get3A_425 = tpu.vector_load %arg7[%get3A_423, %get3A_424] {strides = array<i32>} : memref<400x32xf32, #tpu.memory_space<vmem>>, vector<1x16xf32>,
      %get3A_426 = vector.shape_cast %get3A_425 : vector<1x16xf32> to vector<16xf32>
      %add3A_427 = arith.addf %mul3A_422, %get3A_426 : vector<16xf32>
      %swap3A = arith.index_cast %scan3A_416 : i32 to index
      %swap3A_428 = arith.constant 0 : index
      %swap3A_429 = tpu.vector_load %arg12[%swap3A, %swap3A_428] {strides = array<i32>} : memref<400x32xf32, #tpu.memory_space<vmem>>, vector<1x16xf32>,
      %swap3A_430 = vector.shape_cast %swap3A_429 : vector<1x16xf32> to vector<16xf32>
      %swap3A_431 = vector.shape_cast %add3A_427 : vector<16xf32> to vector<1x16xf32>
      tpu.vector_store %arg12[%swap3A, %swap3A_428], %swap3A_431 {strides = array<i32>} : memref<400x32xf32, #tpu.memory_space<vmem>>, vector<1x16xf32>,
      %get3A_432 = arith.index_cast %scan3A_416 : i32 to index
      %get3A_433 = arith.constant 16 : index
      %get3A_434 = tpu.vector_load %arg9[%get3A_432, %get3A_433] {strides = array<i32>} : memref<400x32xf32, #tpu.memory_space<vmem>>, vector<1x16xf32>,
      %get3A_435 = vector.shape_cast %get3A_434 : vector<1x16xf32> to vector<16xf32>
      %mul3A_436 = arith.constant 5.65685415 : f32
      %mul3A_437 = vector.broadcast %mul3A_436 : f32 to vector<16xf32>
      %mul3A_438 = arith.mulf %get3A_435, %mul3A_437 : vector<16xf32>
      %get3A_439 = arith.index_cast %scan3A_416 : i32 to index
      %get3A_440 = arith.constant 16 : index
      %get3A_441 = tpu.vector_load %arg7[%get3A_439, %get3A_440] {strides = array<i32>} : memref<400x32xf32, #tpu.memory_space<vmem>>, vector<1x16xf32>,
      %get3A_442 = vector.shape_cast %get3A_441 : vector<1x16xf32> to vector<16xf32>
      %add3A_443 = arith.addf %mul3A_438, %get3A_442 : vector<16xf32>
      %swap3A_444 = arith.index_cast %scan3A_416 : i32 to index
      %swap3A_445 = arith.constant 16 : index
      %swap3A_446 = tpu.vector_load %arg12[%swap3A_444, %swap3A_445] {strides = array<i32>} : memref<400x32xf32, #tpu.memory_space<vmem>>, vector<1x16xf32>,
      %swap3A_447 = vector.shape_cast %swap3A_446 : vector<1x16xf32> to vector<16xf32>
      %swap3A_448 = vector.shape_cast %add3A_443 : vector<16xf32> to vector<1x16xf32>
      tpu.vector_store %arg12[%swap3A_444, %swap3A_445], %swap3A_448 {strides = array<i32>} : memref<400x32xf32, #tpu.memory_space<vmem>>, vector<1x16xf32>,
    }
    %scan3A_256 = arith.constant 400 : i32
    %dma_start3A_257 = arith.constant 5200 : i32
    %dma_start3A_258 = tpu.memref_slice %arg6[%dma_start3A_257] : memref<6400xi32, #tpu.memory_space<vmem>> -> memref<400xi32, #tpu.memory_space<vmem>>
    %dma_start3A_259 = arith.constant 0 : i32
    %dma_start3A_260 = arith.constant 0 : i32
    %dma_start3A_261 = tpu.memref_slice %arg4[%dma_start3A_259, %dma_start3A_260] : memref<1000000x32xf32, #tpu.memory_space<hbm>> -> memref<1000000x32xf32, #tpu.memory_space<hbm>>
    tpu.enqueue_indirect_dma source(%dma_start3A_261 : memref<1000000x32xf32, #tpu.memory_space<hbm>>) target(%arg9 : memref<400x32xf32, #tpu.memory_space<vmem>>) offsets(%dma_start3A_258 : memref<400xi32, #tpu.memory_space<vmem>>) semaphore(%arg16 : memref<!tpu.dma_semaphore, #tpu.memory_space<semaphore_mem>>)
    %add3A_262 = arith.constant 3600 : i32
    %add3A_263 = arith.addi %mul3A_21, %add3A_262 : i32
    %dma_start3A_264 = arith.constant 0 : i32
    %dma_start3A_265 = tpu.memref_slice %arg5[%add3A_263, %dma_start3A_264] : memref<204800x32xf32, #tpu.memory_space<hbm>> -> memref<400x32xf32, #tpu.memory_space<hbm>>
    %dma_start3A_266 = arith.constant 0 : i32
    %dma_start3A_267 = tpu.memref_slice %arg5[%add3A_263, %dma_start3A_266] : memref<204800x32xf32, #tpu.memory_space<hbm>> -> memref<400x32xf32, #tpu.memory_space<hbm>>
    tpu.enqueue_dma source(%arg12 : memref<400x32xf32, #tpu.memory_space<vmem>>) target(%dma_start3A_267 : memref<400x32xf32, #tpu.memory_space<hbm>>) target_semaphore(%arg19 : memref<!tpu.dma_semaphore, #tpu.memory_space<semaphore_mem>>)
    %dma_wait3A_268 = arith.constant 4000 : i32
    %dma_wait3A_269 = tpu.memref_slice %arg6[%dma_wait3A_268] : memref<6400xi32, #tpu.memory_space<vmem>> -> memref<400xi32, #tpu.memory_space<vmem>>
    %dma_wait3A_270 = arith.constant 0 : i32
    %dma_wait3A_271 = arith.constant 0 : i32
    %dma_wait3A_272 = tpu.memref_slice %arg4[%dma_wait3A_270, %dma_wait3A_271] : memref<1000000x32xf32, #tpu.memory_space<hbm>> -> memref<1000000x32xf32, #tpu.memory_space<hbm>>
    tpu.wait_indirect_dma semaphore(%arg17 : memref<!tpu.dma_semaphore, #tpu.memory_space<semaphore_mem>>) src(%dma_wait3A_272 : memref<1000000x32xf32, #tpu.memory_space<hbm>>) dst(%arg10 : memref<400x32xf32, #tpu.memory_space<vmem>>)
    %dma_wait3A_273 = arith.constant 0 : i32
    %dma_wait3A_274 = tpu.memref_slice %arg5[%add3A_211, %dma_wait3A_273] : memref<204800x32xf32, #tpu.memory_space<hbm>> -> memref<400x32xf32, #tpu.memory_space<hbm>>
    %dma_wait3A_275 = arith.constant 0 : i32
    %dma_wait3A_276 = tpu.memref_slice %arg5[%add3A_211, %dma_wait3A_275] : memref<204800x32xf32, #tpu.memory_space<hbm>> -> memref<400x32xf32, #tpu.memory_space<hbm>>
    tpu.wait_dma2 semaphore(%arg20 : memref<!tpu.dma_semaphore, #tpu.memory_space<semaphore_mem>>) src(%arg13 : memref<400x32xf32, #tpu.memory_space<vmem>>) dst(%dma_wait3A_276 : memref<400x32xf32, #tpu.memory_space<hbm>>)
    %scan3A_277 = arith.constant 0 : i32
    %scan3A_278 = arith.constant 0 : i32
    %scan3A_279 = arith.constant 400 : i32
    %scan3A_280 = arith.addi %scan3A_278, %scan3A_279 : i32
    %scan3A_281 = arith.constant 1 : i32
    scf.for %scan3A_416 = %scan3A_278 to %scan3A_280 step %scan3A_281  : i32 {
      %get3A = arith.index_cast %scan3A_416 : i32 to index
      %get3A_417 = arith.constant 0 : index
      %get3A_418 = tpu.vector_load %arg10[%get3A, %get3A_417] {strides = array<i32>} : memref<400x32xf32, #tpu.memory_space<vmem>>, vector<1x16xf32>,
      %get3A_419 = vector.shape_cast %get3A_418 : vector<1x16xf32> to vector<16xf32>
      %mul3A_420 = arith.constant 5.65685415 : f32
      %mul3A_421 = vector.broadcast %mul3A_420 : f32 to vector<16xf32>
      %mul3A_422 = arith.mulf %get3A_419, %mul3A_421 : vector<16xf32>
      %get3A_423 = arith.index_cast %scan3A_416 : i32 to index
      %get3A_424 = arith.constant 0 : index
      %get3A_425 = tpu.vector_load %arg7[%get3A_423, %get3A_424] {strides = array<i32>} : memref<400x32xf32, #tpu.memory_space<vmem>>, vector<1x16xf32>,
      %get3A_426 = vector.shape_cast %get3A_425 : vector<1x16xf32> to vector<16xf32>
      %add3A_427 = arith.addf %mul3A_422, %get3A_426 : vector<16xf32>
      %swap3A = arith.index_cast %scan3A_416 : i32 to index
      %swap3A_428 = arith.constant 0 : index
      %swap3A_429 = tpu.vector_load %arg13[%swap3A, %swap3A_428] {strides = array<i32>} : memref<400x32xf32, #tpu.memory_space<vmem>>, vector<1x16xf32>,
      %swap3A_430 = vector.shape_cast %swap3A_429 : vector<1x16xf32> to vector<16xf32>
      %swap3A_431 = vector.shape_cast %add3A_427 : vector<16xf32> to vector<1x16xf32>
      tpu.vector_store %arg13[%swap3A, %swap3A_428], %swap3A_431 {strides = array<i32>} : memref<400x32xf32, #tpu.memory_space<vmem>>, vector<1x16xf32>,
      %get3A_432 = arith.index_cast %scan3A_416 : i32 to index
      %get3A_433 = arith.constant 16 : index
      %get3A_434 = tpu.vector_load %arg10[%get3A_432, %get3A_433] {strides = array<i32>} : memref<400x32xf32, #tpu.memory_space<vmem>>, vector<1x16xf32>,
      %get3A_435 = vector.shape_cast %get3A_434 : vector<1x16xf32> to vector<16xf32>
      %mul3A_436 = arith.constant 5.65685415 : f32
      %mul3A_437 = vector.broadcast %mul3A_436 : f32 to vector<16xf32>
      %mul3A_438 = arith.mulf %get3A_435, %mul3A_437 : vector<16xf32>
      %get3A_439 = arith.index_cast %scan3A_416 : i32 to index
      %get3A_440 = arith.constant 16 : index
      %get3A_441 = tpu.vector_load %arg7[%get3A_439, %get3A_440] {strides = array<i32>} : memref<400x32xf32, #tpu.memory_space<vmem>>, vector<1x16xf32>,
      %get3A_442 = vector.shape_cast %get3A_441 : vector<1x16xf32> to vector<16xf32>
      %add3A_443 = arith.addf %mul3A_438, %get3A_442 : vector<16xf32>
      %swap3A_444 = arith.index_cast %scan3A_416 : i32 to index
      %swap3A_445 = arith.constant 16 : index
      %swap3A_446 = tpu.vector_load %arg13[%swap3A_444, %swap3A_445] {strides = array<i32>} : memref<400x32xf32, #tpu.memory_space<vmem>>, vector<1x16xf32>,
      %swap3A_447 = vector.shape_cast %swap3A_446 : vector<1x16xf32> to vector<16xf32>
      %swap3A_448 = vector.shape_cast %add3A_443 : vector<16xf32> to vector<1x16xf32>
      tpu.vector_store %arg13[%swap3A_444, %swap3A_445], %swap3A_448 {strides = array<i32>} : memref<400x32xf32, #tpu.memory_space<vmem>>, vector<1x16xf32>,
    }
    %scan3A_282 = arith.constant 400 : i32
    %dma_start3A_283 = arith.constant 5600 : i32
    %dma_start3A_284 = tpu.memref_slice %arg6[%dma_start3A_283] : memref<6400xi32, #tpu.memory_space<vmem>> -> memref<400xi32, #tpu.memory_space<vmem>>
    %dma_start3A_285 = arith.constant 0 : i32
    %dma_start3A_286 = arith.constant 0 : i32
    %dma_start3A_287 = tpu.memref_slice %arg4[%dma_start3A_285, %dma_start3A_286] : memref<1000000x32xf32, #tpu.memory_space<hbm>> -> memref<1000000x32xf32, #tpu.memory_space<hbm>>
    tpu.enqueue_indirect_dma source(%dma_start3A_287 : memref<1000000x32xf32, #tpu.memory_space<hbm>>) target(%arg10 : memref<400x32xf32, #tpu.memory_space<vmem>>) offsets(%dma_start3A_284 : memref<400xi32, #tpu.memory_space<vmem>>) semaphore(%arg17 : memref<!tpu.dma_semaphore, #tpu.memory_space<semaphore_mem>>)
    %add3A_288 = arith.constant 4000 : i32
    %add3A_289 = arith.addi %mul3A_21, %add3A_288 : i32
    %dma_start3A_290 = arith.constant 0 : i32
    %dma_start3A_291 = tpu.memref_slice %arg5[%add3A_289, %dma_start3A_290] : memref<204800x32xf32, #tpu.memory_space<hbm>> -> memref<400x32xf32, #tpu.memory_space<hbm>>
    %dma_start3A_292 = arith.constant 0 : i32
    %dma_start3A_293 = tpu.memref_slice %arg5[%add3A_289, %dma_start3A_292] : memref<204800x32xf32, #tpu.memory_space<hbm>> -> memref<400x32xf32, #tpu.memory_space<hbm>>
    tpu.enqueue_dma source(%arg13 : memref<400x32xf32, #tpu.memory_space<vmem>>) target(%dma_start3A_293 : memref<400x32xf32, #tpu.memory_space<hbm>>) target_semaphore(%arg20 : memref<!tpu.dma_semaphore, #tpu.memory_space<semaphore_mem>>)
    %dma_wait3A_294 = arith.constant 4400 : i32
    %dma_wait3A_295 = tpu.memref_slice %arg6[%dma_wait3A_294] : memref<6400xi32, #tpu.memory_space<vmem>> -> memref<400xi32, #tpu.memory_space<vmem>>
    %dma_wait3A_296 = arith.constant 0 : i32
    %dma_wait3A_297 = arith.constant 0 : i32
    %dma_wait3A_298 = tpu.memref_slice %arg4[%dma_wait3A_296, %dma_wait3A_297] : memref<1000000x32xf32, #tpu.memory_space<hbm>> -> memref<1000000x32xf32, #tpu.memory_space<hbm>>
    tpu.wait_indirect_dma semaphore(%arg18 : memref<!tpu.dma_semaphore, #tpu.memory_space<semaphore_mem>>) src(%dma_wait3A_298 : memref<1000000x32xf32, #tpu.memory_space<hbm>>) dst(%arg11 : memref<400x32xf32, #tpu.memory_space<vmem>>)
    %dma_wait3A_299 = arith.constant 0 : i32
    %dma_wait3A_300 = tpu.memref_slice %arg5[%add3A_237, %dma_wait3A_299] : memref<204800x32xf32, #tpu.memory_space<hbm>> -> memref<400x32xf32, #tpu.memory_space<hbm>>
    %dma_wait3A_301 = arith.constant 0 : i32
    %dma_wait3A_302 = tpu.memref_slice %arg5[%add3A_237, %dma_wait3A_301] : memref<204800x32xf32, #tpu.memory_space<hbm>> -> memref<400x32xf32, #tpu.memory_space<hbm>>
    tpu.wait_dma2 semaphore(%arg21 : memref<!tpu.dma_semaphore, #tpu.memory_space<semaphore_mem>>) src(%arg14 : memref<400x32xf32, #tpu.memory_space<vmem>>) dst(%dma_wait3A_302 : memref<400x32xf32, #tpu.memory_space<hbm>>)
    %scan3A_303 = arith.constant 0 : i32
    %scan3A_304 = arith.constant 0 : i32
    %scan3A_305 = arith.constant 400 : i32
    %scan3A_306 = arith.addi %scan3A_304, %scan3A_305 : i32
    %scan3A_307 = arith.constant 1 : i32
    scf.for %scan3A_416 = %scan3A_304 to %scan3A_306 step %scan3A_307  : i32 {
      %get3A = arith.index_cast %scan3A_416 : i32 to index
      %get3A_417 = arith.constant 0 : index
      %get3A_418 = tpu.vector_load %arg11[%get3A, %get3A_417] {strides = array<i32>} : memref<400x32xf32, #tpu.memory_space<vmem>>, vector<1x16xf32>,
      %get3A_419 = vector.shape_cast %get3A_418 : vector<1x16xf32> to vector<16xf32>
      %mul3A_420 = arith.constant 5.65685415 : f32
      %mul3A_421 = vector.broadcast %mul3A_420 : f32 to vector<16xf32>
      %mul3A_422 = arith.mulf %get3A_419, %mul3A_421 : vector<16xf32>
      %get3A_423 = arith.index_cast %scan3A_416 : i32 to index
      %get3A_424 = arith.constant 0 : index
      %get3A_425 = tpu.vector_load %arg7[%get3A_423, %get3A_424] {strides = array<i32>} : memref<400x32xf32, #tpu.memory_space<vmem>>, vector<1x16xf32>,
      %get3A_426 = vector.shape_cast %get3A_425 : vector<1x16xf32> to vector<16xf32>
      %add3A_427 = arith.addf %mul3A_422, %get3A_426 : vector<16xf32>
      %swap3A = arith.index_cast %scan3A_416 : i32 to index
      %swap3A_428 = arith.constant 0 : index
      %swap3A_429 = tpu.vector_load %arg14[%swap3A, %swap3A_428] {strides = array<i32>} : memref<400x32xf32, #tpu.memory_space<vmem>>, vector<1x16xf32>,
      %swap3A_430 = vector.shape_cast %swap3A_429 : vector<1x16xf32> to vector<16xf32>
      %swap3A_431 = vector.shape_cast %add3A_427 : vector<16xf32> to vector<1x16xf32>
      tpu.vector_store %arg14[%swap3A, %swap3A_428], %swap3A_431 {strides = array<i32>} : memref<400x32xf32, #tpu.memory_space<vmem>>, vector<1x16xf32>,
      %get3A_432 = arith.index_cast %scan3A_416 : i32 to index
      %get3A_433 = arith.constant 16 : index
      %get3A_434 = tpu.vector_load %arg11[%get3A_432, %get3A_433] {strides = array<i32>} : memref<400x32xf32, #tpu.memory_space<vmem>>, vector<1x16xf32>,
      %get3A_435 = vector.shape_cast %get3A_434 : vector<1x16xf32> to vector<16xf32>
      %mul3A_436 = arith.constant 5.65685415 : f32
      %mul3A_437 = vector.broadcast %mul3A_436 : f32 to vector<16xf32>
      %mul3A_438 = arith.mulf %get3A_435, %mul3A_437 : vector<16xf32>
      %get3A_439 = arith.index_cast %scan3A_416 : i32 to index
      %get3A_440 = arith.constant 16 : index
      %get3A_441 = tpu.vector_load %arg7[%get3A_439, %get3A_440] {strides = array<i32>} : memref<400x32xf32, #tpu.memory_space<vmem>>, vector<1x16xf32>,
      %get3A_442 = vector.shape_cast %get3A_441 : vector<1x16xf32> to vector<16xf32>
      %add3A_443 = arith.addf %mul3A_438, %get3A_442 : vector<16xf32>
      %swap3A_444 = arith.index_cast %scan3A_416 : i32 to index
      %swap3A_445 = arith.constant 16 : index
      %swap3A_446 = tpu.vector_load %arg14[%swap3A_444, %swap3A_445] {strides = array<i32>} : memref<400x32xf32, #tpu.memory_space<vmem>>, vector<1x16xf32>,
      %swap3A_447 = vector.shape_cast %swap3A_446 : vector<1x16xf32> to vector<16xf32>
      %swap3A_448 = vector.shape_cast %add3A_443 : vector<16xf32> to vector<1x16xf32>
      tpu.vector_store %arg14[%swap3A_444, %swap3A_445], %swap3A_448 {strides = array<i32>} : memref<400x32xf32, #tpu.memory_space<vmem>>, vector<1x16xf32>,
    }
    %scan3A_308 = arith.constant 400 : i32
    %dma_start3A_309 = arith.constant 6000 : i32
    %dma_start3A_310 = tpu.memref_slice %arg6[%dma_start3A_309] : memref<6400xi32, #tpu.memory_space<vmem>> -> memref<400xi32, #tpu.memory_space<vmem>>
    %dma_start3A_311 = arith.constant 0 : i32
    %dma_start3A_312 = arith.constant 0 : i32
    %dma_start3A_313 = tpu.memref_slice %arg4[%dma_start3A_311, %dma_start3A_312] : memref<1000000x32xf32, #tpu.memory_space<hbm>> -> memref<1000000x32xf32, #tpu.memory_space<hbm>>
    tpu.enqueue_indirect_dma source(%dma_start3A_313 : memref<1000000x32xf32, #tpu.memory_space<hbm>>) target(%arg11 : memref<400x32xf32, #tpu.memory_space<vmem>>) offsets(%dma_start3A_310 : memref<400xi32, #tpu.memory_space<vmem>>) semaphore(%arg18 : memref<!tpu.dma_semaphore, #tpu.memory_space<semaphore_mem>>)
    %add3A_314 = arith.constant 4400 : i32
    %add3A_315 = arith.addi %mul3A_21, %add3A_314 : i32
    %dma_start3A_316 = arith.constant 0 : i32
    %dma_start3A_317 = tpu.memref_slice %arg5[%add3A_315, %dma_start3A_316] : memref<204800x32xf32, #tpu.memory_space<hbm>> -> memref<400x32xf32, #tpu.memory_space<hbm>>
    %dma_start3A_318 = arith.constant 0 : i32
    %dma_start3A_319 = tpu.memref_slice %arg5[%add3A_315, %dma_start3A_318] : memref<204800x32xf32, #tpu.memory_space<hbm>> -> memref<400x32xf32, #tpu.memory_space<hbm>>
    tpu.enqueue_dma source(%arg14 : memref<400x32xf32, #tpu.memory_space<vmem>>) target(%dma_start3A_319 : memref<400x32xf32, #tpu.memory_space<hbm>>) target_semaphore(%arg21 : memref<!tpu.dma_semaphore, #tpu.memory_space<semaphore_mem>>)
    %dma_wait3A_320 = arith.constant 4800 : i32
    %dma_wait3A_321 = tpu.memref_slice %arg6[%dma_wait3A_320] : memref<6400xi32, #tpu.memory_space<vmem>> -> memref<400xi32, #tpu.memory_space<vmem>>
    %dma_wait3A_322 = arith.constant 0 : i32
    %dma_wait3A_323 = arith.constant 0 : i32
    %dma_wait3A_324 = tpu.memref_slice %arg4[%dma_wait3A_322, %dma_wait3A_323] : memref<1000000x32xf32, #tpu.memory_space<hbm>> -> memref<1000000x32xf32, #tpu.memory_space<hbm>>
    tpu.wait_indirect_dma semaphore(%arg15 : memref<!tpu.dma_semaphore, #tpu.memory_space<semaphore_mem>>) src(%dma_wait3A_324 : memref<1000000x32xf32, #tpu.memory_space<hbm>>) dst(%arg8 : memref<400x32xf32, #tpu.memory_space<vmem>>)
    %dma_wait3A_325 = arith.constant 0 : i32
    %dma_wait3A_326 = tpu.memref_slice %arg5[%add3A_263, %dma_wait3A_325] : memref<204800x32xf32, #tpu.memory_space<hbm>> -> memref<400x32xf32, #tpu.memory_space<hbm>>
    %dma_wait3A_327 = arith.constant 0 : i32
    %dma_wait3A_328 = tpu.memref_slice %arg5[%add3A_263, %dma_wait3A_327] : memref<204800x32xf32, #tpu.memory_space<hbm>> -> memref<400x32xf32, #tpu.memory_space<hbm>>
    tpu.wait_dma2 semaphore(%arg19 : memref<!tpu.dma_semaphore, #tpu.memory_space<semaphore_mem>>) src(%arg12 : memref<400x32xf32, #tpu.memory_space<vmem>>) dst(%dma_wait3A_328 : memref<400x32xf32, #tpu.memory_space<hbm>>)
    %scan3A_329 = arith.constant 0 : i32
    %scan3A_330 = arith.constant 0 : i32
    %scan3A_331 = arith.constant 400 : i32
    %scan3A_332 = arith.addi %scan3A_330, %scan3A_331 : i32
    %scan3A_333 = arith.constant 1 : i32
    scf.for %scan3A_416 = %scan3A_330 to %scan3A_332 step %scan3A_333  : i32 {
      %get3A = arith.index_cast %scan3A_416 : i32 to index
      %get3A_417 = arith.constant 0 : index
      %get3A_418 = tpu.vector_load %arg8[%get3A, %get3A_417] {strides = array<i32>} : memref<400x32xf32, #tpu.memory_space<vmem>>, vector<1x16xf32>,
      %get3A_419 = vector.shape_cast %get3A_418 : vector<1x16xf32> to vector<16xf32>
      %mul3A_420 = arith.constant 5.65685415 : f32
      %mul3A_421 = vector.broadcast %mul3A_420 : f32 to vector<16xf32>
      %mul3A_422 = arith.mulf %get3A_419, %mul3A_421 : vector<16xf32>
      %get3A_423 = arith.index_cast %scan3A_416 : i32 to index
      %get3A_424 = arith.constant 0 : index
      %get3A_425 = tpu.vector_load %arg7[%get3A_423, %get3A_424] {strides = array<i32>} : memref<400x32xf32, #tpu.memory_space<vmem>>, vector<1x16xf32>,
      %get3A_426 = vector.shape_cast %get3A_425 : vector<1x16xf32> to vector<16xf32>
      %add3A_427 = arith.addf %mul3A_422, %get3A_426 : vector<16xf32>
      %swap3A = arith.index_cast %scan3A_416 : i32 to index
      %swap3A_428 = arith.constant 0 : index
      %swap3A_429 = tpu.vector_load %arg12[%swap3A, %swap3A_428] {strides = array<i32>} : memref<400x32xf32, #tpu.memory_space<vmem>>, vector<1x16xf32>,
      %swap3A_430 = vector.shape_cast %swap3A_429 : vector<1x16xf32> to vector<16xf32>
      %swap3A_431 = vector.shape_cast %add3A_427 : vector<16xf32> to vector<1x16xf32>
      tpu.vector_store %arg12[%swap3A, %swap3A_428], %swap3A_431 {strides = array<i32>} : memref<400x32xf32, #tpu.memory_space<vmem>>, vector<1x16xf32>,
      %get3A_432 = arith.index_cast %scan3A_416 : i32 to index
      %get3A_433 = arith.constant 16 : index
      %get3A_434 = tpu.vector_load %arg8[%get3A_432, %get3A_433] {strides = array<i32>} : memref<400x32xf32, #tpu.memory_space<vmem>>, vector<1x16xf32>,
      %get3A_435 = vector.shape_cast %get3A_434 : vector<1x16xf32> to vector<16xf32>
      %mul3A_436 = arith.constant 5.65685415 : f32
      %mul3A_437 = vector.broadcast %mul3A_436 : f32 to vector<16xf32>
      %mul3A_438 = arith.mulf %get3A_435, %mul3A_437 : vector<16xf32>
      %get3A_439 = arith.index_cast %scan3A_416 : i32 to index
      %get3A_440 = arith.constant 16 : index
      %get3A_441 = tpu.vector_load %arg7[%get3A_439, %get3A_440] {strides = array<i32>} : memref<400x32xf32, #tpu.memory_space<vmem>>, vector<1x16xf32>,
      %get3A_442 = vector.shape_cast %get3A_441 : vector<1x16xf32> to vector<16xf32>
      %add3A_443 = arith.addf %mul3A_438, %get3A_442 : vector<16xf32>
      %swap3A_444 = arith.index_cast %scan3A_416 : i32 to index
      %swap3A_445 = arith.constant 16 : index
      %swap3A_446 = tpu.vector_load %arg12[%swap3A_444, %swap3A_445] {strides = array<i32>} : memref<400x32xf32, #tpu.memory_space<vmem>>, vector<1x16xf32>,
      %swap3A_447 = vector.shape_cast %swap3A_446 : vector<1x16xf32> to vector<16xf32>
      %swap3A_448 = vector.shape_cast %add3A_443 : vector<16xf32> to vector<1x16xf32>
      tpu.vector_store %arg12[%swap3A_444, %swap3A_445], %swap3A_448 {strides = array<i32>} : memref<400x32xf32, #tpu.memory_space<vmem>>, vector<1x16xf32>,
    }
    %scan3A_334 = arith.constant 400 : i32
    %add3A_335 = arith.constant 4800 : i32
    %add3A_336 = arith.addi %mul3A_21, %add3A_335 : i32
    %dma_start3A_337 = arith.constant 0 : i32
    %dma_start3A_338 = tpu.memref_slice %arg5[%add3A_336, %dma_start3A_337] : memref<204800x32xf32, #tpu.memory_space<hbm>> -> memref<400x32xf32, #tpu.memory_space<hbm>>
    %dma_start3A_339 = arith.constant 0 : i32
    %dma_start3A_340 = tpu.memref_slice %arg5[%add3A_336, %dma_start3A_339] : memref<204800x32xf32, #tpu.memory_space<hbm>> -> memref<400x32xf32, #tpu.memory_space<hbm>>
    tpu.enqueue_dma source(%arg12 : memref<400x32xf32, #tpu.memory_space<vmem>>) target(%dma_start3A_340 : memref<400x32xf32, #tpu.memory_space<hbm>>) target_semaphore(%arg19 : memref<!tpu.dma_semaphore, #tpu.memory_space<semaphore_mem>>)
    %dma_wait3A_341 = arith.constant 5200 : i32
    %dma_wait3A_342 = tpu.memref_slice %arg6[%dma_wait3A_341] : memref<6400xi32, #tpu.memory_space<vmem>> -> memref<400xi32, #tpu.memory_space<vmem>>
    %dma_wait3A_343 = arith.constant 0 : i32
    %dma_wait3A_344 = arith.constant 0 : i32
    %dma_wait3A_345 = tpu.memref_slice %arg4[%dma_wait3A_343, %dma_wait3A_344] : memref<1000000x32xf32, #tpu.memory_space<hbm>> -> memref<1000000x32xf32, #tpu.memory_space<hbm>>
    tpu.wait_indirect_dma semaphore(%arg16 : memref<!tpu.dma_semaphore, #tpu.memory_space<semaphore_mem>>) src(%dma_wait3A_345 : memref<1000000x32xf32, #tpu.memory_space<hbm>>) dst(%arg9 : memref<400x32xf32, #tpu.memory_space<vmem>>)
    %dma_wait3A_346 = arith.constant 0 : i32
    %dma_wait3A_347 = tpu.memref_slice %arg5[%add3A_289, %dma_wait3A_346] : memref<204800x32xf32, #tpu.memory_space<hbm>> -> memref<400x32xf32, #tpu.memory_space<hbm>>
    %dma_wait3A_348 = arith.constant 0 : i32
    %dma_wait3A_349 = tpu.memref_slice %arg5[%add3A_289, %dma_wait3A_348] : memref<204800x32xf32, #tpu.memory_space<hbm>> -> memref<400x32xf32, #tpu.memory_space<hbm>>
    tpu.wait_dma2 semaphore(%arg20 : memref<!tpu.dma_semaphore, #tpu.memory_space<semaphore_mem>>) src(%arg13 : memref<400x32xf32, #tpu.memory_space<vmem>>) dst(%dma_wait3A_349 : memref<400x32xf32, #tpu.memory_space<hbm>>)
    %scan3A_350 = arith.constant 0 : i32
    %scan3A_351 = arith.constant 0 : i32
    %scan3A_352 = arith.constant 400 : i32
    %scan3A_353 = arith.addi %scan3A_351, %scan3A_352 : i32
    %scan3A_354 = arith.constant 1 : i32
    scf.for %scan3A_416 = %scan3A_351 to %scan3A_353 step %scan3A_354  : i32 {
      %get3A = arith.index_cast %scan3A_416 : i32 to index
      %get3A_417 = arith.constant 0 : index
      %get3A_418 = tpu.vector_load %arg9[%get3A, %get3A_417] {strides = array<i32>} : memref<400x32xf32, #tpu.memory_space<vmem>>, vector<1x16xf32>,
      %get3A_419 = vector.shape_cast %get3A_418 : vector<1x16xf32> to vector<16xf32>
      %mul3A_420 = arith.constant 5.65685415 : f32
      %mul3A_421 = vector.broadcast %mul3A_420 : f32 to vector<16xf32>
      %mul3A_422 = arith.mulf %get3A_419, %mul3A_421 : vector<16xf32>
      %get3A_423 = arith.index_cast %scan3A_416 : i32 to index
      %get3A_424 = arith.constant 0 : index
      %get3A_425 = tpu.vector_load %arg7[%get3A_423, %get3A_424] {strides = array<i32>} : memref<400x32xf32, #tpu.memory_space<vmem>>, vector<1x16xf32>,
      %get3A_426 = vector.shape_cast %get3A_425 : vector<1x16xf32> to vector<16xf32>
      %add3A_427 = arith.addf %mul3A_422, %get3A_426 : vector<16xf32>
      %swap3A = arith.index_cast %scan3A_416 : i32 to index
      %swap3A_428 = arith.constant 0 : index
      %swap3A_429 = tpu.vector_load %arg13[%swap3A, %swap3A_428] {strides = array<i32>} : memref<400x32xf32, #tpu.memory_space<vmem>>, vector<1x16xf32>,
      %swap3A_430 = vector.shape_cast %swap3A_429 : vector<1x16xf32> to vector<16xf32>
      %swap3A_431 = vector.shape_cast %add3A_427 : vector<16xf32> to vector<1x16xf32>
      tpu.vector_store %arg13[%swap3A, %swap3A_428], %swap3A_431 {strides = array<i32>} : memref<400x32xf32, #tpu.memory_space<vmem>>, vector<1x16xf32>,
      %get3A_432 = arith.index_cast %scan3A_416 : i32 to index
      %get3A_433 = arith.constant 16 : index
      %get3A_434 = tpu.vector_load %arg9[%get3A_432, %get3A_433] {strides = array<i32>} : memref<400x32xf32, #tpu.memory_space<vmem>>, vector<1x16xf32>,
      %get3A_435 = vector.shape_cast %get3A_434 : vector<1x16xf32> to vector<16xf32>
      %mul3A_436 = arith.constant 5.65685415 : f32
      %mul3A_437 = vector.broadcast %mul3A_436 : f32 to vector<16xf32>
      %mul3A_438 = arith.mulf %get3A_435, %mul3A_437 : vector<16xf32>
      %get3A_439 = arith.index_cast %scan3A_416 : i32 to index
      %get3A_440 = arith.constant 16 : index
      %get3A_441 = tpu.vector_load %arg7[%get3A_439, %get3A_440] {strides = array<i32>} : memref<400x32xf32, #tpu.memory_space<vmem>>, vector<1x16xf32>,
      %get3A_442 = vector.shape_cast %get3A_441 : vector<1x16xf32> to vector<16xf32>
      %add3A_443 = arith.addf %mul3A_438, %get3A_442 : vector<16xf32>
      %swap3A_444 = arith.index_cast %scan3A_416 : i32 to index
      %swap3A_445 = arith.constant 16 : index
      %swap3A_446 = tpu.vector_load %arg13[%swap3A_444, %swap3A_445] {strides = array<i32>} : memref<400x32xf32, #tpu.memory_space<vmem>>, vector<1x16xf32>,
      %swap3A_447 = vector.shape_cast %swap3A_446 : vector<1x16xf32> to vector<16xf32>
      %swap3A_448 = vector.shape_cast %add3A_443 : vector<16xf32> to vector<1x16xf32>
      tpu.vector_store %arg13[%swap3A_444, %swap3A_445], %swap3A_448 {strides = array<i32>} : memref<400x32xf32, #tpu.memory_space<vmem>>, vector<1x16xf32>,
    }
    %scan3A_355 = arith.constant 400 : i32
    %add3A_356 = arith.constant 5200 : i32
    %add3A_357 = arith.addi %mul3A_21, %add3A_356 : i32
    %dma_start3A_358 = arith.constant 0 : i32
    %dma_start3A_359 = tpu.memref_slice %arg5[%add3A_357, %dma_start3A_358] : memref<204800x32xf32, #tpu.memory_space<hbm>> -> memref<400x32xf32, #tpu.memory_space<hbm>>
    %dma_start3A_360 = arith.constant 0 : i32
    %dma_start3A_361 = tpu.memref_slice %arg5[%add3A_357, %dma_start3A_360] : memref<204800x32xf32, #tpu.memory_space<hbm>> -> memref<400x32xf32, #tpu.memory_space<hbm>>
    tpu.enqueue_dma source(%arg13 : memref<400x32xf32, #tpu.memory_space<vmem>>) target(%dma_start3A_361 : memref<400x32xf32, #tpu.memory_space<hbm>>) target_semaphore(%arg20 : memref<!tpu.dma_semaphore, #tpu.memory_space<semaphore_mem>>)
    %dma_wait3A_362 = arith.constant 5600 : i32
    %dma_wait3A_363 = tpu.memref_slice %arg6[%dma_wait3A_362] : memref<6400xi32, #tpu.memory_space<vmem>> -> memref<400xi32, #tpu.memory_space<vmem>>
    %dma_wait3A_364 = arith.constant 0 : i32
    %dma_wait3A_365 = arith.constant 0 : i32
    %dma_wait3A_366 = tpu.memref_slice %arg4[%dma_wait3A_364, %dma_wait3A_365] : memref<1000000x32xf32, #tpu.memory_space<hbm>> -> memref<1000000x32xf32, #tpu.memory_space<hbm>>
    tpu.wait_indirect_dma semaphore(%arg17 : memref<!tpu.dma_semaphore, #tpu.memory_space<semaphore_mem>>) src(%dma_wait3A_366 : memref<1000000x32xf32, #tpu.memory_space<hbm>>) dst(%arg10 : memref<400x32xf32, #tpu.memory_space<vmem>>)
    %dma_wait3A_367 = arith.constant 0 : i32
    %dma_wait3A_368 = tpu.memref_slice %arg5[%add3A_315, %dma_wait3A_367] : memref<204800x32xf32, #tpu.memory_space<hbm>> -> memref<400x32xf32, #tpu.memory_space<hbm>>
    %dma_wait3A_369 = arith.constant 0 : i32
    %dma_wait3A_370 = tpu.memref_slice %arg5[%add3A_315, %dma_wait3A_369] : memref<204800x32xf32, #tpu.memory_space<hbm>> -> memref<400x32xf32, #tpu.memory_space<hbm>>
    tpu.wait_dma2 semaphore(%arg21 : memref<!tpu.dma_semaphore, #tpu.memory_space<semaphore_mem>>) src(%arg14 : memref<400x32xf32, #tpu.memory_space<vmem>>) dst(%dma_wait3A_370 : memref<400x32xf32, #tpu.memory_space<hbm>>)
    %scan3A_371 = arith.constant 0 : i32
    %scan3A_372 = arith.constant 0 : i32
    %scan3A_373 = arith.constant 400 : i32
    %scan3A_374 = arith.addi %scan3A_372, %scan3A_373 : i32
    %scan3A_375 = arith.constant 1 : i32
    scf.for %scan3A_416 = %scan3A_372 to %scan3A_374 step %scan3A_375  : i32 {
      %get3A = arith.index_cast %scan3A_416 : i32 to index
      %get3A_417 = arith.constant 0 : index
      %get3A_418 = tpu.vector_load %arg10[%get3A, %get3A_417] {strides = array<i32>} : memref<400x32xf32, #tpu.memory_space<vmem>>, vector<1x16xf32>,
      %get3A_419 = vector.shape_cast %get3A_418 : vector<1x16xf32> to vector<16xf32>
      %mul3A_420 = arith.constant 5.65685415 : f32
      %mul3A_421 = vector.broadcast %mul3A_420 : f32 to vector<16xf32>
      %mul3A_422 = arith.mulf %get3A_419, %mul3A_421 : vector<16xf32>
      %get3A_423 = arith.index_cast %scan3A_416 : i32 to index
      %get3A_424 = arith.constant 0 : index
      %get3A_425 = tpu.vector_load %arg7[%get3A_423, %get3A_424] {strides = array<i32>} : memref<400x32xf32, #tpu.memory_space<vmem>>, vector<1x16xf32>,
      %get3A_426 = vector.shape_cast %get3A_425 : vector<1x16xf32> to vector<16xf32>
      %add3A_427 = arith.addf %mul3A_422, %get3A_426 : vector<16xf32>
      %swap3A = arith.index_cast %scan3A_416 : i32 to index
      %swap3A_428 = arith.constant 0 : index
      %swap3A_429 = tpu.vector_load %arg14[%swap3A, %swap3A_428] {strides = array<i32>} : memref<400x32xf32, #tpu.memory_space<vmem>>, vector<1x16xf32>,
      %swap3A_430 = vector.shape_cast %swap3A_429 : vector<1x16xf32> to vector<16xf32>
      %swap3A_431 = vector.shape_cast %add3A_427 : vector<16xf32> to vector<1x16xf32>
      tpu.vector_store %arg14[%swap3A, %swap3A_428], %swap3A_431 {strides = array<i32>} : memref<400x32xf32, #tpu.memory_space<vmem>>, vector<1x16xf32>,
      %get3A_432 = arith.index_cast %scan3A_416 : i32 to index
      %get3A_433 = arith.constant 16 : index
      %get3A_434 = tpu.vector_load %arg10[%get3A_432, %get3A_433] {strides = array<i32>} : memref<400x32xf32, #tpu.memory_space<vmem>>, vector<1x16xf32>,
      %get3A_435 = vector.shape_cast %get3A_434 : vector<1x16xf32> to vector<16xf32>
      %mul3A_436 = arith.constant 5.65685415 : f32
      %mul3A_437 = vector.broadcast %mul3A_436 : f32 to vector<16xf32>
      %mul3A_438 = arith.mulf %get3A_435, %mul3A_437 : vector<16xf32>
      %get3A_439 = arith.index_cast %scan3A_416 : i32 to index
      %get3A_440 = arith.constant 16 : index
      %get3A_441 = tpu.vector_load %arg7[%get3A_439, %get3A_440] {strides = array<i32>} : memref<400x32xf32, #tpu.memory_space<vmem>>, vector<1x16xf32>,
      %get3A_442 = vector.shape_cast %get3A_441 : vector<1x16xf32> to vector<16xf32>
      %add3A_443 = arith.addf %mul3A_438, %get3A_442 : vector<16xf32>
      %swap3A_444 = arith.index_cast %scan3A_416 : i32 to index
      %swap3A_445 = arith.constant 16 : index
      %swap3A_446 = tpu.vector_load %arg14[%swap3A_444, %swap3A_445] {strides = array<i32>} : memref<400x32xf32, #tpu.memory_space<vmem>>, vector<1x16xf32>,
      %swap3A_447 = vector.shape_cast %swap3A_446 : vector<1x16xf32> to vector<16xf32>
      %swap3A_448 = vector.shape_cast %add3A_443 : vector<16xf32> to vector<1x16xf32>
      tpu.vector_store %arg14[%swap3A_444, %swap3A_445], %swap3A_448 {strides = array<i32>} : memref<400x32xf32, #tpu.memory_space<vmem>>, vector<1x16xf32>,
    }
    %scan3A_376 = arith.constant 400 : i32
    %add3A_377 = arith.constant 5600 : i32
    %add3A_378 = arith.addi %mul3A_21, %add3A_377 : i32
    %dma_start3A_379 = arith.constant 0 : i32
    %dma_start3A_380 = tpu.memref_slice %arg5[%add3A_378, %dma_start3A_379] : memref<204800x32xf32, #tpu.memory_space<hbm>> -> memref<400x32xf32, #tpu.memory_space<hbm>>
    %dma_start3A_381 = arith.constant 0 : i32
    %dma_start3A_382 = tpu.memref_slice %arg5[%add3A_378, %dma_start3A_381] : memref<204800x32xf32, #tpu.memory_space<hbm>> -> memref<400x32xf32, #tpu.memory_space<hbm>>
    tpu.enqueue_dma source(%arg14 : memref<400x32xf32, #tpu.memory_space<vmem>>) target(%dma_start3A_382 : memref<400x32xf32, #tpu.memory_space<hbm>>) target_semaphore(%arg21 : memref<!tpu.dma_semaphore, #tpu.memory_space<semaphore_mem>>)
    %dma_wait3A_383 = arith.constant 6000 : i32
    %dma_wait3A_384 = tpu.memref_slice %arg6[%dma_wait3A_383] : memref<6400xi32, #tpu.memory_space<vmem>> -> memref<400xi32, #tpu.memory_space<vmem>>
    %dma_wait3A_385 = arith.constant 0 : i32
    %dma_wait3A_386 = arith.constant 0 : i32
    %dma_wait3A_387 = tpu.memref_slice %arg4[%dma_wait3A_385, %dma_wait3A_386] : memref<1000000x32xf32, #tpu.memory_space<hbm>> -> memref<1000000x32xf32, #tpu.memory_space<hbm>>
    tpu.wait_indirect_dma semaphore(%arg18 : memref<!tpu.dma_semaphore, #tpu.memory_space<semaphore_mem>>) src(%dma_wait3A_387 : memref<1000000x32xf32, #tpu.memory_space<hbm>>) dst(%arg11 : memref<400x32xf32, #tpu.memory_space<vmem>>)
    %dma_wait3A_388 = arith.constant 0 : i32
    %dma_wait3A_389 = tpu.memref_slice %arg5[%add3A_336, %dma_wait3A_388] : memref<204800x32xf32, #tpu.memory_space<hbm>> -> memref<400x32xf32, #tpu.memory_space<hbm>>
    %dma_wait3A_390 = arith.constant 0 : i32
    %dma_wait3A_391 = tpu.memref_slice %arg5[%add3A_336, %dma_wait3A_390] : memref<204800x32xf32, #tpu.memory_space<hbm>> -> memref<400x32xf32, #tpu.memory_space<hbm>>
    tpu.wait_dma2 semaphore(%arg19 : memref<!tpu.dma_semaphore, #tpu.memory_space<semaphore_mem>>) src(%arg12 : memref<400x32xf32, #tpu.memory_space<vmem>>) dst(%dma_wait3A_391 : memref<400x32xf32, #tpu.memory_space<hbm>>)
    %scan3A_392 = arith.constant 0 : i32
    %scan3A_393 = arith.constant 0 : i32
    %scan3A_394 = arith.constant 400 : i32
    %scan3A_395 = arith.addi %scan3A_393, %scan3A_394 : i32
    %scan3A_396 = arith.constant 1 : i32
    scf.for %scan3A_416 = %scan3A_393 to %scan3A_395 step %scan3A_396  : i32 {
      %get3A = arith.index_cast %scan3A_416 : i32 to index
      %get3A_417 = arith.constant 0 : index
      %get3A_418 = tpu.vector_load %arg11[%get3A, %get3A_417] {strides = array<i32>} : memref<400x32xf32, #tpu.memory_space<vmem>>, vector<1x16xf32>,
      %get3A_419 = vector.shape_cast %get3A_418 : vector<1x16xf32> to vector<16xf32>
      %mul3A_420 = arith.constant 5.65685415 : f32
      %mul3A_421 = vector.broadcast %mul3A_420 : f32 to vector<16xf32>
      %mul3A_422 = arith.mulf %get3A_419, %mul3A_421 : vector<16xf32>
      %get3A_423 = arith.index_cast %scan3A_416 : i32 to index
      %get3A_424 = arith.constant 0 : index
      %get3A_425 = tpu.vector_load %arg7[%get3A_423, %get3A_424] {strides = array<i32>} : memref<400x32xf32, #tpu.memory_space<vmem>>, vector<1x16xf32>,
      %get3A_426 = vector.shape_cast %get3A_425 : vector<1x16xf32> to vector<16xf32>
      %add3A_427 = arith.addf %mul3A_422, %get3A_426 : vector<16xf32>
      %swap3A = arith.index_cast %scan3A_416 : i32 to index
      %swap3A_428 = arith.constant 0 : index
      %swap3A_429 = tpu.vector_load %arg12[%swap3A, %swap3A_428] {strides = array<i32>} : memref<400x32xf32, #tpu.memory_space<vmem>>, vector<1x16xf32>,
      %swap3A_430 = vector.shape_cast %swap3A_429 : vector<1x16xf32> to vector<16xf32>
      %swap3A_431 = vector.shape_cast %add3A_427 : vector<16xf32> to vector<1x16xf32>
      tpu.vector_store %arg12[%swap3A, %swap3A_428], %swap3A_431 {strides = array<i32>} : memref<400x32xf32, #tpu.memory_space<vmem>>, vector<1x16xf32>,
      %get3A_432 = arith.index_cast %scan3A_416 : i32 to index
      %get3A_433 = arith.constant 16 : index
      %get3A_434 = tpu.vector_load %arg11[%get3A_432, %get3A_433] {strides = array<i32>} : memref<400x32xf32, #tpu.memory_space<vmem>>, vector<1x16xf32>,
      %get3A_435 = vector.shape_cast %get3A_434 : vector<1x16xf32> to vector<16xf32>
      %mul3A_436 = arith.constant 5.65685415 : f32
      %mul3A_437 = vector.broadcast %mul3A_436 : f32 to vector<16xf32>
      %mul3A_438 = arith.mulf %get3A_435, %mul3A_437 : vector<16xf32>
      %get3A_439 = arith.index_cast %scan3A_416 : i32 to index
      %get3A_440 = arith.constant 16 : index
      %get3A_441 = tpu.vector_load %arg7[%get3A_439, %get3A_440] {strides = array<i32>} : memref<400x32xf32, #tpu.memory_space<vmem>>, vector<1x16xf32>,
      %get3A_442 = vector.shape_cast %get3A_441 : vector<1x16xf32> to vector<16xf32>
      %add3A_443 = arith.addf %mul3A_438, %get3A_442 : vector<16xf32>
      %swap3A_444 = arith.index_cast %scan3A_416 : i32 to index
      %swap3A_445 = arith.constant 16 : index
      %swap3A_446 = tpu.vector_load %arg12[%swap3A_444, %swap3A_445] {strides = array<i32>} : memref<400x32xf32, #tpu.memory_space<vmem>>, vector<1x16xf32>,
      %swap3A_447 = vector.shape_cast %swap3A_446 : vector<1x16xf32> to vector<16xf32>
      %swap3A_448 = vector.shape_cast %add3A_443 : vector<16xf32> to vector<1x16xf32>
      tpu.vector_store %arg12[%swap3A_444, %swap3A_445], %swap3A_448 {strides = array<i32>} : memref<400x32xf32, #tpu.memory_space<vmem>>, vector<1x16xf32>,
    }
    %scan3A_397 = arith.constant 400 : i32
    %add3A_398 = arith.constant 6000 : i32
    %add3A_399 = arith.addi %mul3A_21, %add3A_398 : i32
    %dma_start3A_400 = arith.constant 0 : i32
    %dma_start3A_401 = tpu.memref_slice %arg5[%add3A_399, %dma_start3A_400] : memref<204800x32xf32, #tpu.memory_space<hbm>> -> memref<400x32xf32, #tpu.memory_space<hbm>>
    %dma_start3A_402 = arith.constant 0 : i32
    %dma_start3A_403 = tpu.memref_slice %arg5[%add3A_399, %dma_start3A_402] : memref<204800x32xf32, #tpu.memory_space<hbm>> -> memref<400x32xf32, #tpu.memory_space<hbm>>
    tpu.enqueue_dma source(%arg12 : memref<400x32xf32, #tpu.memory_space<vmem>>) target(%dma_start3A_403 : memref<400x32xf32, #tpu.memory_space<hbm>>) target_semaphore(%arg19 : memref<!tpu.dma_semaphore, #tpu.memory_space<semaphore_mem>>)
    %dma_wait3A_404 = arith.constant 0 : i32
    %dma_wait3A_405 = tpu.memref_slice %arg5[%add3A_357, %dma_wait3A_404] : memref<204800x32xf32, #tpu.memory_space<hbm>> -> memref<400x32xf32, #tpu.memory_space<hbm>>
    %dma_wait3A_406 = arith.constant 0 : i32
    %dma_wait3A_407 = tpu.memref_slice %arg5[%add3A_357, %dma_wait3A_406] : memref<204800x32xf32, #tpu.memory_space<hbm>> -> memref<400x32xf32, #tpu.memory_space<hbm>>
    tpu.wait_dma2 semaphore(%arg20 : memref<!tpu.dma_semaphore, #tpu.memory_space<semaphore_mem>>) src(%arg13 : memref<400x32xf32, #tpu.memory_space<vmem>>) dst(%dma_wait3A_407 : memref<400x32xf32, #tpu.memory_space<hbm>>)
    %dma_wait3A_408 = arith.constant 0 : i32
    %dma_wait3A_409 = tpu.memref_slice %arg5[%add3A_378, %dma_wait3A_408] : memref<204800x32xf32, #tpu.memory_space<hbm>> -> memref<400x32xf32, #tpu.memory_space<hbm>>
    %dma_wait3A_410 = arith.constant 0 : i32
    %dma_wait3A_411 = tpu.memref_slice %arg5[%add3A_378, %dma_wait3A_410] : memref<204800x32xf32, #tpu.memory_space<hbm>> -> memref<400x32xf32, #tpu.memory_space<hbm>>
    tpu.wait_dma2 semaphore(%arg21 : memref<!tpu.dma_semaphore, #tpu.memory_space<semaphore_mem>>) src(%arg14 : memref<400x32xf32, #tpu.memory_space<vmem>>) dst(%dma_wait3A_411 : memref<400x32xf32, #tpu.memory_space<hbm>>)
    %dma_wait3A_412 = arith.constant 0 : i32
    %dma_wait3A_413 = tpu.memref_slice %arg5[%add3A_399, %dma_wait3A_412] : memref<204800x32xf32, #tpu.memory_space<hbm>> -> memref<400x32xf32, #tpu.memory_space<hbm>>
    %dma_wait3A_414 = arith.constant 0 : i32
    %dma_wait3A_415 = tpu.memref_slice %arg5[%add3A_399, %dma_wait3A_414] : memref<204800x32xf32, #tpu.memory_space<hbm>> -> memref<400x32xf32, #tpu.memory_space<hbm>>
    tpu.wait_dma2 semaphore(%arg19 : memref<!tpu.dma_semaphore, #tpu.memory_space<semaphore_mem>>) src(%arg12 : memref<400x32xf32, #tpu.memory_space<vmem>>) dst(%dma_wait3A_415 : memref<400x32xf32, #tpu.memory_space<hbm>>)
    return
  }
}

</mosaic_0001>

<sc_bundles>
// kernel: kernel.3.cloned.1.call-start
scs
__scs_entry_jumppad:
0x0: {  	(pc) =	sbr.rel $0x88, $3  }
0x1: {  	(tag) =	ssettag $0x0;
	lr =	simm.s32 $0x1  }
0x2: {  	[smem:$0x3F9F] =	sst lr;
	_ =	strace $0xD0000000  }
0x3: {  	_ = 	snop  }
0x4: {  	_ = 	snop  }
0x5: {  	_ = 	snop  }
0x6: {  	_ = 	snop  }
0x7: {  	_ = 	snop  }
__scs_overlays_trampoline_lowered:
0x8: {  	[smem:$0x3FAE] =	sst s0  }
0x9: {  	[smem:$0x3FAF] =	sst s1  }
0xa: {  	[smem:$0x3FB0] =	sst s2  }
0xb: {  	[smem:$0x3FB1] =	sst s3  }
0xc: {  	[smem:$0x3FB2] =	sst s4  }
0xd: {  	[smem:$0x3FB3] =	sst s5  }
0xe: {  	[smem:$0x3FB4] =	sst s6  }
0xf: {  	[smem:$0x3FB5] =	sst s7  }
0x10: {  	[smem:$0x3FB6] =	sst s8  }
0x11: {  	[smem:$0x3FB7] =	sst s9;
	s0 =	simm.s32 @!p0 $0x0  }
0x12: {  	s1 =	sld [smem:$0x3F9D];
	s0 =	simm.s32 @p0 $0x1  }
0x13: {  	[smem:$0x3FB8] =	sst s0;
	s0 =	simm.s32 @!p1 $0x0  }
0x14: {  	s2 =	sld [smem:$0x3F9C];
	s0 =	simm.s32 @p1 $0x1  }
0x15: {  	[smem:$0x3FB9] =	sst s0;
	s0 =	simm.s32 @!p2 $0x0  }
0x16: {  	s3 =	sld [smem:$0x3FDB];
	s0 =	simm.s32 @p2 $0x1  }
0x17: {  	s4 =	simm.s32 $0x1BF5;
	[smem:$0x3FBB] =	sst s0  }
0x18: {  	s0 =	sld [smem:$0x3F9E];
	_ =	swait.ge [sflag:s4], $0x0  }
0x19: {  	s7 =	sld [smem:$0x3F9F]  }
0x1a: {  	s8 =	sadd.s32 $0xFFFFE003, lr  }
0x1b: {  	s9 =	sadd.s32 $0xFFFFFEF7, lr;
	s5 =	simm.s32 $0xFFFFFFFF;
	p2 =	slt.u32 s8, $0xFFFFF086  }
0x1c: {  	p1 =	slt.u32 s9, $0xF7A;
	s5 =	simm.s32 @!p2 $0x0  }
0x1d: {  	s5 =	simm.s32 @p1 $0x1;
	p0 =	seq.s32 s7, s2  }
0x1e: {  	s7 =	smul.u32 @!p0 $0xF7A, s2;
	p2 =	seq.s32 @!p0 s5, $0x0  }
0x1f: {  	s9 =	smul.u32 $0xF7A, s1;
	s8 =	simm.s32 @!p0 $0x1BF5;
	p2 =	por !p2, p0  }
0x20: {  	[sflag:s8] =	ssyncset.s32 @!p0 $0xFFFFF086;
	s6 =	sadd.s32 @!p0 s3, s7;
	s7 =	simm.s32 @!p0 $0x108  }
0x21: {  	s3 =	sadd.s32 s3, s9;
	s6 =	sadd.s32 @!p0 $0x88, s6;
	s7 =	simm.s32 @p2 $0x1082  }
0x22: {  	[simem:s7], [sflag:s8] =	dma.local @!p0 [hbm:s6], $0xF7A  }
0x23: {  	s9 =	sor.u32 $0xD0000000, s2;
	s6 =	simm.s32 $0x108;
	_ =	swait.ge @!p0 [sflag:s8], $0x0  }
0x24: {  	s3 =	sadd.s32 $0x88, s3;
	s6 =	simm.s32 @!p1 $0x1082;
	[sflag:s4] =	ssyncset.s32 $0xFFFFF086  }
0x25: {  	[simem:s6], [sflag:s4] =	dma.local [hbm:s3], $0xF7A  }
0x26: {  	[smem:$0x3F9F] =	sst s1;
	(tag) =	ssettag s2;
	_ =	strace s9  }
0x27: {  	s1 =	sld [smem:$0x3FAF]  }
0x28: {  	s2 =	sld [smem:$0x3FB0]  }
0x29: {  	s4 =	sld [smem:$0x3FB2]  }
0x2a: {  	p0 =	seq.s32 s5, $0x0;
	s5 =	sld [smem:$0x3FB3]  }
0x2b: {  	s6 =	sld [smem:$0x3FB4]  }
0x2c: {  	s7 =	sld [smem:$0x3FB5]  }
0x2d: {  	s3 =	simm.s32 $0x108;
	s8 =	sld [smem:$0x3FB6]  }
0x2e: {  	s3 =	simm.s32 @!p0 $0x1082;
	s9 =	sld [smem:$0x3FB7]  }
0x2f: {  	lr =	sadd.s32 s0, s3;
	s0 =	sld [smem:$0x3FAE]  }
0x30: {  	s3 =	sld [smem:$0x3FB1]  }
0x31: {  	[smem:$0x3FBA] =	sst s10  }
0x32: {  	s10 =	sld [smem:$0x3FB8];
	_ =	sdelay $0x3  }
0x33: {  	p0 =	seq.s32 s10, $0x1;
	s10 =	sld [smem:$0x3FBA];
	_ =	sdelay $0x3  }
0x34: {  	[smem:$0x3FBA] =	sst s10  }
0x35: {  	s10 =	sld [smem:$0x3FB9];
	_ =	sdelay $0x3  }
0x36: {  	p1 =	seq.s32 s10, $0x1;
	s10 =	sld [smem:$0x3FBA];
	_ =	sdelay $0x3  }
0x37: {  	[smem:$0x3FBA] =	sst s10  }
0x38: {  	s10 =	sld [smem:$0x3FBB]  }
0x39: {  	_ = 	snop;
	(pc) =	sbr.ind lr, $3  }
0x3a: {  	_ = 	snop  }
0x3b: {  	_ = 	snop  }
0x3c: {  	p2 =	seq.s32 s10, $0x1;
	s10 =	sld [smem:$0x3FBA]  }
0x3d: {  	_ =	shalt  }
0x3e: {  	_ =	shalt  }
0x3f: {  	_ =	shalt  }
0x40: {  	_ =	shalt  }
0x41: {  	_ =	shalt  }
0x42: {  	_ =	shalt  }
0x43: {  	_ =	shalt  }
0x44: {  	_ =	shalt  }
0x45: {  	_ =	shalt  }
0x46: {  	_ =	shalt  }
0x47: {  	_ =	shalt  }
0x48: {  	_ =	shalt  }
0x49: {  	_ =	shalt  }
0x4a: {  	_ =	shalt  }
0x4b: {  	_ =	shalt  }
0x4c: {  	_ =	shalt  }
0x4d: {  	_ =	shalt  }
0x4e: {  	_ =	shalt  }
0x4f: {  	_ =	shalt  }
0x50: {  	_ =	shalt  }
0x51: {  	_ =	shalt  }
0x52: {  	_ =	shalt  }
0x53: {  	_ =	shalt  }
0x54: {  	_ =	shalt  }
0x55: {  	_ =	shalt  }
0x56: {  	_ =	shalt  }
0x57: {  	_ =	shalt  }
0x58: {  	_ =	shalt  }
0x59: {  	_ =	shalt  }
0x5a: {  	_ =	shalt  }
0x5b: {  	_ =	shalt  }
0x5c: {  	_ =	shalt  }
0x5d: {  	_ =	shalt  }
0x5e: {  	_ =	shalt  }
0x5f: {  	_ =	shalt  }
0x60: {  	_ =	shalt  }
0x61: {  	_ =	shalt  }
0x62: {  	_ =	shalt  }
0x63: {  	_ =	shalt  }
0x64: {  	_ =	shalt  }
0x65: {  	_ =	shalt  }
0x66: {  	_ =	shalt  }
0x67: {  	_ =	shalt  }
0x68: {  	_ =	shalt  }
0x69: {  	_ =	shalt  }
0x6a: {  	_ =	shalt  }
0x6b: {  	_ =	shalt  }
0x6c: {  	_ =	shalt  }
0x6d: {  	_ =	shalt  }
0x6e: {  	_ =	shalt  }
0x6f: {  	_ =	shalt  }
0x70: {  	_ =	shalt  }
0x71: {  	_ =	shalt  }
0x72: {  	_ =	shalt  }
0x73: {  	_ =	shalt  }
0x74: {  	_ =	shalt  }
0x75: {  	_ =	shalt  }
0x76: {  	_ =	shalt  }
0x77: {  	_ =	shalt  }
0x78: {  	_ =	shalt  }
0x79: {  	_ =	shalt  }
0x7a: {  	_ =	shalt  }
0x7b: {  	_ =	shalt  }
0x7c: {  	_ =	shalt  }
0x7d: {  	_ =	shalt  }
0x7e: {  	_ =	shalt  }
0x7f: {  	_ =	shalt  }
0x80: {  	_ =	shalt  }
0x81: {  	_ =	shalt  }
0x82: {  	_ =	shalt  }
0x83: {  	_ =	shalt  }
0x84: {  	_ =	shalt  }
0x85: {  	_ =	shalt  }
0x86: {  	_ =	shalt  }
0x87: {  	_ =	shalt  }
.Lfunc_end0:
.L_simem_size_0:
called_computation_lowered:
.L_overlay_start_0:
0x88: {  	s2 =	sld [smem:$0x3FD9]  }
0x89: {  	s3 =	sld [smem:$0x3FFE];
	_ =	sdelay $0x1  }
0x8a: {  	s1 =	srdreg.scid  }
0x8b: {  	s0 =	sand.u32 $0x1, s1  }
0x8c: {  	s17 =	sshll.u32 s0, $0xA;
	s2 =	sadd.s32 s3, s2  }
0x8d: {  	s2 =	sadd.s32 s2, s17  }
0x8e: {  	[smem:$0x3FC6] =	sst s2  }
0x8f: {  	_ = 	snop  }
0x90: {  	s2 =	sld [smem:$0x3FD0];
	(tm) =	ssettm $0x1  }
0x91: {  	s18 =	sld [smem:$0x3FFB];
	_ =	sdelay $0x3  }
0x92: {  	_ =	strace s18  }
0x93: {  	s3 =	sld [smem:$0x3FFC];
	_ =	sdelay $0x3  }
0x94: {  	_ =	strace s3  }
0x95: {  	s3 =	sld [smem:$0x3FFD];
	_ =	sdelay $0x3  }
0x96: {  	_ =	strace s3  }
0x97: {  	_ =	strace $0x8FFFFFFF  }
0x98: {  	s19 =	sld [smem:$0x3FDB];
	_ =	sdelay $0x1  }
0x99: {  	s4 =	simm.s32 $_scs_section_size  }
0x9a: {  	s5 =	simm.s32 $_size__tile_overlayer_lowered;
	s6 =	simm.s32 $_tile_overlayer_lowered  }
0x9b: {  	s22 =	simm.s32 $0x1BFF;
	s21 =	sshll.u32 s6, $0x1;
	s3 =	sadd.s32 s4, s19  }
0x9c: {  	s7 =	simm.s32 $0x0;
	s20 =	sshll.u32 s5, $0x1;
	s5 =	sadd.s32 s21, s3  }
0x9d: {  	[timem:s7], [sflag:s22] =	dma.local [hbm:s5], s20  }
0x9e: {  	_ =	swait.ge [sflag:s22], s20  }
0x9f: {  	s4 =	ssub.s32 $0x0, s20;
	[sflag:s22] =	ssyncset.done $0x0  }
0xa0: {  	[sflag:s22] =	ssyncadd.s32 s4;
	_ =	sdelay $0x1  }
0xa1: {  	s23 =	simm.s32 $0x1B8B  }
0xa2: {  	_ =	swait.ge [sflag:s23], $0x1  }
0xa3: {  	[sflag:s23] =	ssyncset.done $0x0  }
0xa4: {  	s25 =	simm.s32 $0x1B8E;
	s24 =	sld [smem:$0x3FFE];
	[sflag:s23] =	ssyncadd.s32 $0xFFFFFFFF  }
0xa5: {  	s26 =	simm.s32 $execute0_lowered;
	[smem:$0x3FD2] =	sst s25  }
0xa6: {  	s5 =	sshll.u32 s26, $0x1;
	_ =	strace $0x80000046;
	[dreg:$0x1] =	wrdreg $0xFFFFFFFF  }
0xa7: {  	s28 =	simm.s32 $_size_execute0_lowered;
	s3 =	sadd.s32 s3, s5;
	[dreg:$0x0] =	wrdreg $0x0  }
0xa8: {  	s5 =	sshll.u32 s28, $0x1;
	[dreg:$0x2] =	wrdreg s3  }
0xa9: {  	[dreg:$0x3] =	wrdreg s5  }
0xaa: {  	[dreg:$0x4] =	wrdreg $0xC0  }
0xab: {  	_ =	task [dreg:s7], $0x5FFFF  }
0xac: {  	[dreg:$0x1] =	wrdreg $0xFFFFFFFF  }
0xad: {  	[dreg:$0x0] =	wrdreg $0x60  }
0xae: {  	[dreg:$0x2] =	wrdreg s24  }
0xaf: {  	[dreg:$0x3] =	wrdreg s2  }
0xb0: {  	[dreg:$0x4] =	wrdreg $0x9  }
0xb1: {  	_ =	task.clear_ibuf [dreg:s7], $0x5FFFF;
	_ =	strace $0x90000046  }
0xb2: {  	s29 =	simm.s32 $0x9;
	_ =	strace $0x80000048  }
0xb3: {  	_ =	swait.ge [sflag:s29], $0x1  }
0xb4: {  	[sflag:s29] =	ssyncadd.s32 $0xFFFFFFFF  }
0xb5: {  	_ =	strace $0x90000048  }
0xb6: {  	_ =	sfence  }
0xb7: {  	s30 =	sld [smem:$0x0];
	_ =	sdelay $0x2  }
0xb8: {  	s31 =	sshll.u32 s1, $0xD;
	s1 =	sshrl.u32 s1, $0x2  }
0xb9: {  	s3 =	sand.u32 $0x4000, s31;
	s1 =	sadd.s32 s1, s30  }
0xba: {  	s0 =	sor.u32 s3, s0;
	s1 =	sshll.u32 s1, $0x11  }
0xbb: {  	s0 =	sor.u32 s1, s0  }
0xbc: {  	s0 =	sadd.s32 $0x8F2B, s0  }
0xbd: {  	[sflag:s0] =	ssyncadd.remote.s32 $0x1  }
0xbe: {  	_ =	sfence.sel $0xFFFF  }
0xbf: {  	[dreg:$0x0] =	wrdreg $0xFFFFFFFF;
	(pc) =	sbr.abs _section_cstart, $3  }
0xc0: {  	[dreg:$0x1] =	wrdreg $0xFFFFFFFF  }
0xc1: {  	_ =	task.clear_ibuf [dreg:s7], $0x2FFFF;
	_ =	strace $0x9FFFFFFF  }
0xc2: {  	(tm) =	ssettm $0x7FFFFFFF  }
0xc3: {  	_ =	shalt  }
tec
execute0_lowered:
.L_overlay_start_1:
0x0: {  	(tag) =	ssettag $0x1  }
0x1: {  	s8 =	rddreg [dreg:$0x0];
	s0 =	srdreg.scid  }
0x2: {  	s2 =	stileid.u32;
	s1 =	rddreg [dreg:$0x1]  }
0x3: {  	s3 =	simm.s32 $0x0;
	s28 =	simm.s32 $0x7D00;
	s30 =	simm.s32 $0xAF00  }
0x4: {  	s29 =	simm.s32 $0x11300;
	s0 =	sand.u32 $0x1, s0;
	s2 =	sshll.u32 s2, $0x1  }
0x5: {  	s31 =	simm.s32 $0x2;
	s9 =	simm.s32 $0x7;
	s2 =	sor.u32 s0, s2  }
0x6: {  	s10 =	simm.s32 $0x0;
	s0 =	ssub.s32 $0x2, s0;
	s4 =	smul.u32 $0x320, s2  }
0x7: {  	[smem:$0x7FF] =	sst s3;
	s5 =	smul.u32 $0x32000, s2;
	s7 =	sshrl.u32 s0, $0x1  }
0x8: {  	_ =	strace $0x80000047;
	s2 =	smul.u32 $0x6400, s2;
	s0 =	ssub.s32 s0, s7  }
0x9: {  	s7 =	simm.s32 $0x5;
	s6 =	sadd.s32 s4, s8;
	s4 =	sadd.s32 $0xF42C00, s8  }
0xa: {  	s5 =	sshrl.u32 s5, $0x3;
	s2 =	sadd.s32 s1, s2;
	s8 =	simm.s32 $0x6  }
0xb: {  	s6 =	sadd.s32 $0x800, s6;
	[dreg:$0x4] =	wrdreg s2;
	s1 =	sadd.s32 s1, s5  }
0xc: {  	s2 =	simm.s32 $0x3;
	[dreg:$0x3] =	wrdreg s6;
	s20 =	sadd.s32 $0x640, s1  }
0xd: {  	s5 =	simm.s32 $0x17700;
	s21 =	sadd.s32 $0xC80, s1;
	[dreg:$0x5] =	wrdreg s20  }
0xe: {  	s22 =	sadd.s32 $0x12C0, s1;
	s23 =	sadd.s32 $0x1900, s1;
	[dreg:$0x6] =	wrdreg s21  }
0xf: {  	s24 =	sadd.s32 $0x1F40, s1;
	s25 =	sadd.s32 $0x2580, s1;
	[dreg:$0x7] =	wrdreg s22  }
0x10: {  	s26 =	sadd.s32 $0x2BC0, s1;
	s14 =	sadd.s32 $0x3200, s1;
	[dreg:$0x8] =	wrdreg s23  }
0x11: {  	s15 =	sadd.s32 $0x3840, s1;
	s16 =	sadd.s32 $0x3E80, s1;
	[dreg:$0x9] =	wrdreg s24  }
0x12: {  	s17 =	sadd.s32 $0x44C0, s1;
	s18 =	sadd.s32 $0x4B00, s1;
	[dreg:$0xa] =	wrdreg s25  }
0x13: {  	s19 =	sadd.s32 $0x5140, s1;
	s6 =	simm.s32 $0x4;
	[dreg:$0xb] =	wrdreg s26  }
0x14: {  	s20 =	sadd.s32 $0x5780, s1;
	s21 =	sadd.s32 $0x5DC0, s1;
	s22 =	smax.u32 s0, $0x1  }
0x15: {  	s24 =	simm.s32 $0x8;
	s25 =	simm.s32 $0x190;
	s26 =	simm.s32 $0x4B00  }
0x16: {  	s1 =	simm.s32 $0xE100;
	s0 =	simm.s32 $0x1;
	s23 =	simm.s32 $0x14500  }
.LBB2_1:
0x17: {  	s11 =	rddreg [dreg:$0x0];
	s12 =	simm.s32 $0x1900  }
0x18: {  	[tilespmem:s12], [sflag:$0x8] =	stream.linear.gather [hbm4b:s11+s3], $0x3200, $0x38;
	[tilespmem:$0x1A900] =	vst v63  }
0x19: {  	_ =	swait.ge [sflag:s24], $0x3200  }
0x1a: {  	[sflag:s24] =	ssyncset.done $0x0  }
0x1b: {  	s13 =	rddreg [dreg:$0x3];
	[sflag:s24] =	ssyncadd.s32 $0xFFFFCE00  }
0x1c: {  	[tilespmem:s3], [sflag:$0x8] =	stream.linear.gather [hbm4b:s13+s3], $0x1900, $0x38;
	[tilespmem:$0x1A900] =	vst v63  }
0x1d: {  	_ =	swait.ge [sflag:s24], $0x1900  }
0x1e: {  	[sflag:s24] =	ssyncset.done $0x0  }
0x1f: {  	[sflag:s24] =	ssyncadd.s32 $0xFFFFE700  }
0x20: {  	[tilespmem:s26], [sflag:$0x1] =	stream.indirect.gather [hbm4b:s4+s25], $0x20, s3, s25, $0xb8;
	[tilespmem:$0x1A900] =	vst v63  }
0x21: {  	_ = 	snop  }
0x22: {  	[tilespmem:s28], [sflag:$0x2] =	stream.indirect.gather [hbm4b:s4+s25], $0x20, s25, s25, $0xb8;
	[tilespmem:$0x1A900] =	vst v63  }
0x23: {  	s12 =	simm.s32 $0x320  }
0x24: {  	[tilespmem:s30], [sflag:$0x3] =	stream.indirect.gather [hbm4b:s4+s25], $0x20, s12, s25, $0xb8;
	[tilespmem:$0x1A900] =	vst v63  }
0x25: {  	s13 =	simm.s32 $0x4B0  }
0x26: {  	[tilespmem:s1], [sflag:$0x4] =	stream.indirect.gather [hbm4b:s4+s25], $0x20, s13, s25, $0xb8;
	[tilespmem:$0x1A900] =	vst v63  }
0x27: {  	_ =	swait.ge [sflag:s0], $0x3200  }
0x28: {  	[sflag:s0] =	ssyncset.done $0x0  }
0x29: {  	s11 =	simm.s32 $0x0;
	[sflag:s0] =	ssyncadd.s32 $0xFFFFCE00  }
0x2a: {  	v0 =	vld [tilespmem:s11+$0x4B10]  }
0x2b: {  	v1 =	vld [tilespmem:s11+$0x4B00]  }
0x2c: {  	v2 =	vld [tilespmem:s11+$0x1910]  }
0x2d: {  	v3 =	vld [tilespmem:s11+$0x1900]  }
0x2e: {  	s12 =	simm.s32 $0x80  }
.LBB2_2:
0x2f: {  	s13 =	sshra.s32 s12, $0x2;
	p0 =	sne.s32 s12, $0xC780;
	s12 =	sadd.s32 $0x80, s12;
	v4 =	vmul.f32 $5.656854150e+00, v0  }
.Ltmp0:
0x30: {  	v0 =	vld [tilespmem:s13+$0x4B10];
	v5 =	vmul.f32 $5.656854150e+00, v1;
	(pc) =	sbr.rel @p0 .LBB2_2-.Ltmp0, $4  }
0x31: {  	v1 =	vld [tilespmem:s13+$0x4B00];
	v4 =	vadd.f32 v2, v4  }
0x32: {  	v2 =	vld [tilespmem:s13+$0x1910];
	v5 =	vadd.f32 v3, v5  }
0x33: {  	v3 =	vld [tilespmem:s13+$0x1900];
	[tilespmem:s11+$0x11310] =	vst v4  }
0x34: {  	[tilespmem:s11+$0x11300] =	vst v5;
	s11 =	smov.u32 s13  }
0x35: {  	v0 =	vmul.f32 $5.656854150e+00, v0  }
0x36: {  	v1 =	vmul.f32 $5.656854150e+00, v1  }
0x37: {  	v0 =	vadd.f32 v2, v0  }
0x38: {  	v1 =	vadd.f32 v3, v1  }
0x39: {  	[tilespmem:s11+$0x11310] =	vst v0  }
0x3a: {  	s12 =	simm.s32 $0x640;
	[tilespmem:s11+$0x11300] =	vst v1  }
0x3b: {  	[tilespmem:s26], [sflag:$0x1] =	stream.indirect.gather [hbm4b:s4+s25], $0x20, s12, s25, $0xb8;
	[tilespmem:$0x1A900] =	vst v63  }
0x3c: {  	s13 =	simm.s32 $0x0;
	s12 =	rddreg [dreg:$0x4]  }
0x3d: {  	[hbm4b:s12+s13] =	stream.linear.scatter [tilespmem:s29], [sflag:$0x5], $0x3200, $0x38;
	[tilespmem:$0x1A900] =	vst v63  }
0x3e: {  	_ =	swait.ge [sflag:s31], $0x3200  }
0x3f: {  	[sflag:s31] =	ssyncset.done $0x0  }
0x40: {  	s11 =	simm.s32 $0x0;
	[sflag:s31] =	ssyncadd.s32 $0xFFFFCE00  }
0x41: {  	v0 =	vld [tilespmem:s11+$0x7D10]  }
0x42: {  	v1 =	vld [tilespmem:s11+$0x7D00]  }
0x43: {  	v2 =	vld [tilespmem:s11+$0x1910]  }
0x44: {  	v3 =	vld [tilespmem:s11+$0x1900]  }
0x45: {  	s12 =	simm.s32 $0x80  }
.LBB2_4:
0x46: {  	s13 =	sshra.s32 s12, $0x2;
	p0 =	sne.s32 s12, $0xC780;
	s12 =	sadd.s32 $0x80, s12;
	v4 =	vmul.f32 $5.656854150e+00, v0  }
.Ltmp1:
0x47: {  	v0 =	vld [tilespmem:s13+$0x7D10];
	v5 =	vmul.f32 $5.656854150e+00, v1;
	(pc) =	sbr.rel @p0 .LBB2_4-.Ltmp1, $4  }
0x48: {  	v1 =	vld [tilespmem:s13+$0x7D00];
	v4 =	vadd.f32 v2, v4  }
0x49: {  	v2 =	vld [tilespmem:s13+$0x1910];
	v5 =	vadd.f32 v3, v5  }
0x4a: {  	v3 =	vld [tilespmem:s13+$0x1900];
	[tilespmem:s11+$0x14510] =	vst v4  }
0x4b: {  	[tilespmem:s11+$0x14500] =	vst v5;
	s11 =	smov.u32 s13  }
0x4c: {  	v0 =	vmul.f32 $5.656854150e+00, v0  }
0x4d: {  	v1 =	vmul.f32 $5.656854150e+00, v1  }
0x4e: {  	v0 =	vadd.f32 v2, v0  }
0x4f: {  	v1 =	vadd.f32 v3, v1  }
0x50: {  	[tilespmem:s11+$0x14510] =	vst v0  }
0x51: {  	s12 =	simm.s32 $0x7D0;
	[tilespmem:s11+$0x14500] =	vst v1  }
0x52: {  	[tilespmem:s28], [sflag:$0x2] =	stream.indirect.gather [hbm4b:s4+s25], $0x20, s12, s25, $0xb8;
	[tilespmem:$0x1A900] =	vst v63  }
0x53: {  	s13 =	simm.s32 $0x0;
	s12 =	rddreg [dreg:$0x5]  }
0x54: {  	[hbm4b:s12+s13] =	stream.linear.scatter [tilespmem:s23], [sflag:$0x6], $0x3200, $0x38;
	[tilespmem:$0x1A900] =	vst v63  }
0x55: {  	_ =	swait.ge [sflag:s2], $0x3200  }
0x56: {  	[sflag:s2] =	ssyncset.done $0x0  }
0x57: {  	s11 =	simm.s32 $0x0;
	[sflag:s2] =	ssyncadd.s32 $0xFFFFCE00  }
0x58: {  	v0 =	vld [tilespmem:s11+$0xAF10]  }
0x59: {  	v1 =	vld [tilespmem:s11+$0xAF00]  }
0x5a: {  	v2 =	vld [tilespmem:s11+$0x1910]  }
0x5b: {  	v3 =	vld [tilespmem:s11+$0x1900]  }
0x5c: {  	s12 =	simm.s32 $0x80  }
.LBB2_6:
0x5d: {  	s13 =	sshra.s32 s12, $0x2;
	p0 =	sne.s32 s12, $0xC780;
	s12 =	sadd.s32 $0x80, s12;
	v4 =	vmul.f32 $5.656854150e+00, v0  }
.Ltmp2:
0x5e: {  	v0 =	vld [tilespmem:s13+$0xAF10];
	v5 =	vmul.f32 $5.656854150e+00, v1;
	(pc) =	sbr.rel @p0 .LBB2_6-.Ltmp2, $4  }
0x5f: {  	v1 =	vld [tilespmem:s13+$0xAF00];
	v4 =	vadd.f32 v2, v4  }
0x60: {  	v2 =	vld [tilespmem:s13+$0x1910];
	v5 =	vadd.f32 v3, v5  }
0x61: {  	v3 =	vld [tilespmem:s13+$0x1900];
	[tilespmem:s11+$0x17710] =	vst v4  }
0x62: {  	[tilespmem:s11+$0x17700] =	vst v5;
	s11 =	smov.u32 s13  }
0x63: {  	v0 =	vmul.f32 $5.656854150e+00, v0  }
0x64: {  	v1 =	vmul.f32 $5.656854150e+00, v1  }
0x65: {  	v0 =	vadd.f32 v2, v0  }
0x66: {  	v1 =	vadd.f32 v3, v1  }
0x67: {  	[tilespmem:s11+$0x17710] =	vst v0  }
0x68: {  	s12 =	simm.s32 $0x960;
	[tilespmem:s11+$0x17700] =	vst v1  }
0x69: {  	[tilespmem:s30], [sflag:$0x3] =	stream.indirect.gather [hbm4b:s4+s25], $0x20, s12, s25, $0xb8;
	[tilespmem:$0x1A900] =	vst v63  }
0x6a: {  	s13 =	simm.s32 $0x0;
	s12 =	rddreg [dreg:$0x6]  }
0x6b: {  	[hbm4b:s12+s13] =	stream.linear.scatter [tilespmem:s5], [sflag:$0x7], $0x3200, $0x38;
	[tilespmem:$0x1A900] =	vst v63  }
0x6c: {  	_ =	swait.ge [sflag:s6], $0x3200  }
0x6d: {  	[sflag:s6] =	ssyncset.done $0x0  }
0x6e: {  	[sflag:s6] =	ssyncadd.s32 $0xFFFFCE00  }
0x6f: {  	_ =	swait.ge [sflag:s7], $0x3200  }
0x70: {  	[sflag:s7] =	ssyncset.done $0x0  }
0x71: {  	s11 =	simm.s32 $0x0;
	[sflag:s7] =	ssyncadd.s32 $0xFFFFCE00  }
0x72: {  	v0 =	vld [tilespmem:s11+$0xE110]  }
0x73: {  	v1 =	vld [tilespmem:s11+$0xE100]  }
0x74: {  	v2 =	vld [tilespmem:s11+$0x1910]  }
0x75: {  	v3 =	vld [tilespmem:s11+$0x1900]  }
0x76: {  	s12 =	simm.s32 $0x80  }
.LBB2_8:
0x77: {  	s13 =	sshra.s32 s12, $0x2;
	p0 =	sne.s32 s12, $0xC780;
	s12 =	sadd.s32 $0x80, s12;
	v4 =	vmul.f32 $5.656854150e+00, v0  }
.Ltmp3:
0x78: {  	v0 =	vld [tilespmem:s13+$0xE110];
	v5 =	vmul.f32 $5.656854150e+00, v1;
	(pc) =	sbr.rel @p0 .LBB2_8-.Ltmp3, $4  }
0x79: {  	v1 =	vld [tilespmem:s13+$0xE100];
	v4 =	vadd.f32 v2, v4  }
0x7a: {  	v2 =	vld [tilespmem:s13+$0x1910];
	v5 =	vadd.f32 v3, v5  }
0x7b: {  	v3 =	vld [tilespmem:s13+$0x1900];
	[tilespmem:s11+$0x11310] =	vst v4  }
0x7c: {  	[tilespmem:s11+$0x11300] =	vst v5;
	s11 =	smov.u32 s13  }
0x7d: {  	v0 =	vmul.f32 $5.656854150e+00, v0  }
0x7e: {  	v1 =	vmul.f32 $5.656854150e+00, v1  }
0x7f: {  	v0 =	vadd.f32 v2, v0  }
0x80: {  	v1 =	vadd.f32 v3, v1  }
0x81: {  	[tilespmem:s11+$0x11310] =	vst v0  }
0x82: {  	s12 =	simm.s32 $0xAF0;
	[tilespmem:s11+$0x11300] =	vst v1  }
0x83: {  	[tilespmem:s1], [sflag:$0x4] =	stream.indirect.gather [hbm4b:s4+s25], $0x20, s12, s25, $0xb8;
	[tilespmem:$0x1A900] =	vst v63  }
0x84: {  	s13 =	simm.s32 $0x0;
	s12 =	rddreg [dreg:$0x7]  }
0x85: {  	[hbm4b:s12+s13] =	stream.linear.scatter [tilespmem:s29], [sflag:$0x5], $0x3200, $0x38;
	[tilespmem:$0x1A900] =	vst v63  }
0x86: {  	_ =	swait.ge [sflag:s0], $0x3200  }
0x87: {  	[sflag:s0] =	ssyncset.done $0x0  }
0x88: {  	[sflag:s0] =	ssyncadd.s32 $0xFFFFCE00  }
0x89: {  	_ =	swait.ge [sflag:s8], $0x3200  }
0x8a: {  	[sflag:s8] =	ssyncset.done $0x0  }
0x8b: {  	s11 =	simm.s32 $0x0;
	[sflag:s8] =	ssyncadd.s32 $0xFFFFCE00  }
0x8c: {  	v0 =	vld [tilespmem:s11+$0x4B10]  }
0x8d: {  	v1 =	vld [tilespmem:s11+$0x4B00]  }
0x8e: {  	v2 =	vld [tilespmem:s11+$0x1910]  }
0x8f: {  	v3 =	vld [tilespmem:s11+$0x1900]  }
0x90: {  	s12 =	simm.s32 $0x80  }
.LBB2_10:
0x91: {  	s13 =	sshra.s32 s12, $0x2;
	p0 =	sne.s32 s12, $0xC780;
	s12 =	sadd.s32 $0x80, s12;
	v4 =	vmul.f32 $5.656854150e+00, v0  }
.Ltmp4:
0x92: {  	v0 =	vld [tilespmem:s13+$0x4B10];
	v5 =	vmul.f32 $5.656854150e+00, v1;
	(pc) =	sbr.rel @p0 .LBB2_10-.Ltmp4, $4  }
0x93: {  	v1 =	vld [tilespmem:s13+$0x4B00];
	v4 =	vadd.f32 v2, v4  }
0x94: {  	v2 =	vld [tilespmem:s13+$0x1910];
	v5 =	vadd.f32 v3, v5  }
0x95: {  	v3 =	vld [tilespmem:s13+$0x1900];
	[tilespmem:s11+$0x14510] =	vst v4  }
0x96: {  	[tilespmem:s11+$0x14500] =	vst v5;
	s11 =	smov.u32 s13  }
0x97: {  	v0 =	vmul.f32 $5.656854150e+00, v0  }
0x98: {  	v1 =	vmul.f32 $5.656854150e+00, v1  }
0x99: {  	v0 =	vadd.f32 v2, v0  }
0x9a: {  	v1 =	vadd.f32 v3, v1  }
0x9b: {  	[tilespmem:s11+$0x14510] =	vst v0  }
0x9c: {  	s12 =	simm.s32 $0xC80;
	[tilespmem:s11+$0x14500] =	vst v1  }
0x9d: {  	[tilespmem:s26], [sflag:$0x1] =	stream.indirect.gather [hbm4b:s4+s25], $0x20, s12, s25, $0xb8;
	[tilespmem:$0x1A900] =	vst v63  }
0x9e: {  	s13 =	simm.s32 $0x0;
	s12 =	rddreg [dreg:$0x8]  }
0x9f: {  	[hbm4b:s12+s13] =	stream.linear.scatter [tilespmem:s23], [sflag:$0x6], $0x3200, $0x38;
	[tilespmem:$0x1A900] =	vst v63  }
0xa0: {  	_ =	swait.ge [sflag:s31], $0x3200  }
0xa1: {  	[sflag:s31] =	ssyncset.done $0x0  }
0xa2: {  	[sflag:s31] =	ssyncadd.s32 $0xFFFFCE00  }
0xa3: {  	_ =	swait.ge [sflag:s9], $0x3200  }
0xa4: {  	[sflag:s9] =	ssyncset.done $0x0  }
0xa5: {  	s11 =	simm.s32 $0x0;
	[sflag:s9] =	ssyncadd.s32 $0xFFFFCE00  }
0xa6: {  	v0 =	vld [tilespmem:s11+$0x7D10]  }
0xa7: {  	v1 =	vld [tilespmem:s11+$0x7D00]  }
0xa8: {  	v2 =	vld [tilespmem:s11+$0x1910]  }
0xa9: {  	v3 =	vld [tilespmem:s11+$0x1900]  }
0xaa: {  	s12 =	simm.s32 $0x80  }
.LBB2_12:
0xab: {  	s13 =	sshra.s32 s12, $0x2;
	p0 =	sne.s32 s12, $0xC780;
	s12 =	sadd.s32 $0x80, s12;
	v4 =	vmul.f32 $5.656854150e+00, v0  }
.Ltmp5:
0xac: {  	v0 =	vld [tilespmem:s13+$0x7D10];
	v5 =	vmul.f32 $5.656854150e+00, v1;
	(pc) =	sbr.rel @p0 .LBB2_12-.Ltmp5, $4  }
0xad: {  	v1 =	vld [tilespmem:s13+$0x7D00];
	v4 =	vadd.f32 v2, v4  }
0xae: {  	v2 =	vld [tilespmem:s13+$0x1910];
	v5 =	vadd.f32 v3, v5  }
0xaf: {  	v3 =	vld [tilespmem:s13+$0x1900];
	[tilespmem:s11+$0x17710] =	vst v4  }
0xb0: {  	[tilespmem:s11+$0x17700] =	vst v5;
	s11 =	smov.u32 s13  }
0xb1: {  	v0 =	vmul.f32 $5.656854150e+00, v0  }
0xb2: {  	v1 =	vmul.f32 $5.656854150e+00, v1  }
0xb3: {  	v0 =	vadd.f32 v2, v0  }
0xb4: {  	v1 =	vadd.f32 v3, v1  }
0xb5: {  	[tilespmem:s11+$0x17710] =	vst v0  }
0xb6: {  	s12 =	simm.s32 $0xE10;
	[tilespmem:s11+$0x17700] =	vst v1  }
0xb7: {  	[tilespmem:s28], [sflag:$0x2] =	stream.indirect.gather [hbm4b:s4+s25], $0x20, s12, s25, $0xb8;
	[tilespmem:$0x1A900] =	vst v63  }
0xb8: {  	s13 =	simm.s32 $0x0;
	s12 =	rddreg [dreg:$0x9]  }
0xb9: {  	[hbm4b:s12+s13] =	stream.linear.scatter [tilespmem:s5], [sflag:$0x7], $0x3200, $0x38;
	[tilespmem:$0x1A900] =	vst v63  }
0xba: {  	_ =	swait.ge [sflag:s2], $0x3200  }
0xbb: {  	[sflag:s2] =	ssyncset.done $0x0  }
0xbc: {  	[sflag:s2] =	ssyncadd.s32 $0xFFFFCE00  }
0xbd: {  	_ =	swait.ge [sflag:s7], $0x3200  }
0xbe: {  	[sflag:s7] =	ssyncset.done $0x0  }
0xbf: {  	s11 =	simm.s32 $0x0;
	[sflag:s7] =	ssyncadd.s32 $0xFFFFCE00  }
0xc0: {  	v0 =	vld [tilespmem:s11+$0xAF10]  }
0xc1: {  	v1 =	vld [tilespmem:s11+$0xAF00]  }
0xc2: {  	v2 =	vld [tilespmem:s11+$0x1910]  }
0xc3: {  	v3 =	vld [tilespmem:s11+$0x1900]  }
0xc4: {  	s12 =	simm.s32 $0x80  }
.LBB2_14:
0xc5: {  	s13 =	sshra.s32 s12, $0x2;
	p0 =	sne.s32 s12, $0xC780;
	s12 =	sadd.s32 $0x80, s12;
	v4 =	vmul.f32 $5.656854150e+00, v0  }
.Ltmp6:
0xc6: {  	v0 =	vld [tilespmem:s13+$0xAF10];
	v5 =	vmul.f32 $5.656854150e+00, v1;
	(pc) =	sbr.rel @p0 .LBB2_14-.Ltmp6, $4  }
0xc7: {  	v1 =	vld [tilespmem:s13+$0xAF00];
	v4 =	vadd.f32 v2, v4  }
0xc8: {  	v2 =	vld [tilespmem:s13+$0x1910];
	v5 =	vadd.f32 v3, v5  }
0xc9: {  	v3 =	vld [tilespmem:s13+$0x1900];
	[tilespmem:s11+$0x11310] =	vst v4  }
0xca: {  	[tilespmem:s11+$0x11300] =	vst v5;
	s11 =	smov.u32 s13  }
0xcb: {  	v0 =	vmul.f32 $5.656854150e+00, v0  }
0xcc: {  	v1 =	vmul.f32 $5.656854150e+00, v1  }
0xcd: {  	v0 =	vadd.f32 v2, v0  }
0xce: {  	v1 =	vadd.f32 v3, v1  }
0xcf: {  	[tilespmem:s11+$0x11310] =	vst v0  }
0xd0: {  	s12 =	simm.s32 $0xFA0;
	[tilespmem:s11+$0x11300] =	vst v1  }
0xd1: {  	[tilespmem:s30], [sflag:$0x3] =	stream.indirect.gather [hbm4b:s4+s25], $0x20, s12, s25, $0xb8;
	[tilespmem:$0x1A900] =	vst v63  }
0xd2: {  	s13 =	simm.s32 $0x0;
	s12 =	rddreg [dreg:$0xa]  }
0xd3: {  	[hbm4b:s12+s13] =	stream.linear.scatter [tilespmem:s29], [sflag:$0x5], $0x3200, $0x38;
	[tilespmem:$0x1A900] =	vst v63  }
0xd4: {  	_ =	swait.ge [sflag:s6], $0x3200  }
0xd5: {  	[sflag:s6] =	ssyncset.done $0x0  }
0xd6: {  	[sflag:s6] =	ssyncadd.s32 $0xFFFFCE00  }
0xd7: {  	_ =	swait.ge [sflag:s8], $0x3200  }
0xd8: {  	[sflag:s8] =	ssyncset.done $0x0  }
0xd9: {  	s11 =	simm.s32 $0x0;
	[sflag:s8] =	ssyncadd.s32 $0xFFFFCE00  }
0xda: {  	v0 =	vld [tilespmem:s11+$0xE110]  }
0xdb: {  	v1 =	vld [tilespmem:s11+$0xE100]  }
0xdc: {  	v2 =	vld [tilespmem:s11+$0x1910]  }
0xdd: {  	v3 =	vld [tilespmem:s11+$0x1900]  }
0xde: {  	s12 =	simm.s32 $0x80  }
.LBB2_16:
0xdf: {  	s13 =	sshra.s32 s12, $0x2;
	p0 =	sne.s32 s12, $0xC780;
	s12 =	sadd.s32 $0x80, s12;
	v4 =	vmul.f32 $5.656854150e+00, v0  }
.Ltmp7:
0xe0: {  	v0 =	vld [tilespmem:s13+$0xE110];
	v5 =	vmul.f32 $5.656854150e+00, v1;
	(pc) =	sbr.rel @p0 .LBB2_16-.Ltmp7, $4  }
0xe1: {  	v1 =	vld [tilespmem:s13+$0xE100];
	v4 =	vadd.f32 v2, v4  }
0xe2: {  	v2 =	vld [tilespmem:s13+$0x1910];
	v5 =	vadd.f32 v3, v5  }
0xe3: {  	v3 =	vld [tilespmem:s13+$0x1900];
	[tilespmem:s11+$0x14510] =	vst v4  }
0xe4: {  	[tilespmem:s11+$0x14500] =	vst v5;
	s11 =	smov.u32 s13  }
0xe5: {  	v0 =	vmul.f32 $5.656854150e+00, v0  }
0xe6: {  	v1 =	vmul.f32 $5.656854150e+00, v1  }
0xe7: {  	v0 =	vadd.f32 v2, v0  }
0xe8: {  	v1 =	vadd.f32 v3, v1  }
0xe9: {  	[tilespmem:s11+$0x14510] =	vst v0  }
0xea: {  	s12 =	simm.s32 $0x1130;
	[tilespmem:s11+$0x14500] =	vst v1  }
0xeb: {  	[tilespmem:s1], [sflag:$0x4] =	stream.indirect.gather [hbm4b:s4+s25], $0x20, s12, s25, $0xb8;
	[tilespmem:$0x1A900] =	vst v63  }
0xec: {  	s13 =	simm.s32 $0x0;
	s12 =	rddreg [dreg:$0xb]  }
0xed: {  	[hbm4b:s12+s13] =	stream.linear.scatter [tilespmem:s23], [sflag:$0x6], $0x3200, $0x38;
	[tilespmem:$0x1A900] =	vst v63  }
0xee: {  	_ =	swait.ge [sflag:s0], $0x3200  }
0xef: {  	[sflag:s0] =	ssyncset.done $0x0  }
0xf0: {  	[sflag:s0] =	ssyncadd.s32 $0xFFFFCE00  }
0xf1: {  	_ =	swait.ge [sflag:s9], $0x3200  }
0xf2: {  	[sflag:s9] =	ssyncset.done $0x0  }
0xf3: {  	s11 =	simm.s32 $0x0;
	[sflag:s9] =	ssyncadd.s32 $0xFFFFCE00  }
0xf4: {  	v0 =	vld [tilespmem:s11+$0x4B10]  }
0xf5: {  	v1 =	vld [tilespmem:s11+$0x4B00]  }
0xf6: {  	v2 =	vld [tilespmem:s11+$0x1910]  }
0xf7: {  	v3 =	vld [tilespmem:s11+$0x1900]  }
0xf8: {  	s12 =	simm.s32 $0x80  }
.LBB2_18:
0xf9: {  	s13 =	sshra.s32 s12, $0x2;
	p0 =	sne.s32 s12, $0xC780;
	s12 =	sadd.s32 $0x80, s12;
	v4 =	vmul.f32 $5.656854150e+00, v0  }
.Ltmp8:
0xfa: {  	v0 =	vld [tilespmem:s13+$0x4B10];
	v5 =	vmul.f32 $5.656854150e+00, v1;
	(pc) =	sbr.rel @p0 .LBB2_18-.Ltmp8, $4  }
0xfb: {  	v1 =	vld [tilespmem:s13+$0x4B00];
	v4 =	vadd.f32 v2, v4  }
0xfc: {  	v2 =	vld [tilespmem:s13+$0x1910];
	v5 =	vadd.f32 v3, v5  }
0xfd: {  	v3 =	vld [tilespmem:s13+$0x1900];
	[tilespmem:s11+$0x17710] =	vst v4  }
0xfe: {  	[tilespmem:s11+$0x17700] =	vst v5;
	s11 =	smov.u32 s13  }
0xff: {  	v0 =	vmul.f32 $5.656854150e+00, v0  }
0x100: {  	v1 =	vmul.f32 $5.656854150e+00, v1  }
0x101: {  	v0 =	vadd.f32 v2, v0  }
0x102: {  	v1 =	vadd.f32 v3, v1  }
0x103: {  	[tilespmem:s11+$0x17710] =	vst v0  }
0x104: {  	s12 =	simm.s32 $0x12C0;
	[tilespmem:s11+$0x17700] =	vst v1  }
0x105: {  	[tilespmem:s26], [sflag:$0x1] =	stream.indirect.gather [hbm4b:s4+s25], $0x20, s12, s25, $0xb8;
	[tilespmem:$0x1A900] =	vst v63  }
0x106: {  	s13 =	simm.s32 $0x0  }
0x107: {  	[hbm4b:s14+s13] =	stream.linear.scatter [tilespmem:s5], [sflag:$0x7], $0x3200, $0x38;
	[tilespmem:$0x1A900] =	vst v63  }
0x108: {  	_ =	swait.ge [sflag:s31], $0x3200  }
0x109: {  	[sflag:s31] =	ssyncset.done $0x0  }
0x10a: {  	[sflag:s31] =	ssyncadd.s32 $0xFFFFCE00  }
0x10b: {  	_ =	swait.ge [sflag:s7], $0x3200  }
0x10c: {  	[sflag:s7] =	ssyncset.done $0x0  }
0x10d: {  	s11 =	simm.s32 $0x0;
	[sflag:s7] =	ssyncadd.s32 $0xFFFFCE00  }
0x10e: {  	v0 =	vld [tilespmem:s11+$0x7D10]  }
0x10f: {  	v1 =	vld [tilespmem:s11+$0x7D00]  }
0x110: {  	v2 =	vld [tilespmem:s11+$0x1910]  }
0x111: {  	v3 =	vld [tilespmem:s11+$0x1900]  }
0x112: {  	s12 =	simm.s32 $0x80  }
.LBB2_20:
0x113: {  	s13 =	sshra.s32 s12, $0x2;
	p0 =	sne.s32 s12, $0xC780;
	s12 =	sadd.s32 $0x80, s12;
	v4 =	vmul.f32 $5.656854150e+00, v0  }
.Ltmp9:
0x114: {  	v0 =	vld [tilespmem:s13+$0x7D10];
	v5 =	vmul.f32 $5.656854150e+00, v1;
	(pc) =	sbr.rel @p0 .LBB2_20-.Ltmp9, $4  }
0x115: {  	v1 =	vld [tilespmem:s13+$0x7D00];
	v4 =	vadd.f32 v2, v4  }
0x116: {  	v2 =	vld [tilespmem:s13+$0x1910];
	v5 =	vadd.f32 v3, v5  }
0x117: {  	v3 =	vld [tilespmem:s13+$0x1900];
	[tilespmem:s11+$0x11310] =	vst v4  }
0x118: {  	[tilespmem:s11+$0x11300] =	vst v5;
	s11 =	smov.u32 s13  }
0x119: {  	v0 =	vmul.f32 $5.656854150e+00, v0  }
0x11a: {  	v1 =	vmul.f32 $5.656854150e+00, v1  }
0x11b: {  	v0 =	vadd.f32 v2, v0  }
0x11c: {  	v1 =	vadd.f32 v3, v1  }
0x11d: {  	[tilespmem:s11+$0x11310] =	vst v0  }
0x11e: {  	s12 =	simm.s32 $0x1450;
	[tilespmem:s11+$0x11300] =	vst v1  }
0x11f: {  	[tilespmem:s28], [sflag:$0x2] =	stream.indirect.gather [hbm4b:s4+s25], $0x20, s12, s25, $0xb8;
	[tilespmem:$0x1A900] =	vst v63  }
0x120: {  	s13 =	simm.s32 $0x0  }
0x121: {  	[hbm4b:s15+s13] =	stream.linear.scatter [tilespmem:s29], [sflag:$0x5], $0x3200, $0x38;
	[tilespmem:$0x1A900] =	vst v63  }
0x122: {  	_ =	swait.ge [sflag:s2], $0x3200  }
0x123: {  	[sflag:s2] =	ssyncset.done $0x0  }
0x124: {  	[sflag:s2] =	ssyncadd.s32 $0xFFFFCE00  }
0x125: {  	_ =	swait.ge [sflag:s8], $0x3200  }
0x126: {  	[sflag:s8] =	ssyncset.done $0x0  }
0x127: {  	s11 =	simm.s32 $0x0;
	[sflag:s8] =	ssyncadd.s32 $0xFFFFCE00  }
0x128: {  	v0 =	vld [tilespmem:s11+$0xAF10]  }
0x129: {  	v1 =	vld [tilespmem:s11+$0xAF00]  }
0x12a: {  	v2 =	vld [tilespmem:s11+$0x1910]  }
0x12b: {  	v3 =	vld [tilespmem:s11+$0x1900]  }
0x12c: {  	s12 =	simm.s32 $0x80  }
.LBB2_22:
0x12d: {  	s13 =	sshra.s32 s12, $0x2;
	p0 =	sne.s32 s12, $0xC780;
	s12 =	sadd.s32 $0x80, s12;
	v4 =	vmul.f32 $5.656854150e+00, v0  }
.Ltmp10:
0x12e: {  	v0 =	vld [tilespmem:s13+$0xAF10];
	v5 =	vmul.f32 $5.656854150e+00, v1;
	(pc) =	sbr.rel @p0 .LBB2_22-.Ltmp10, $4  }
0x12f: {  	v1 =	vld [tilespmem:s13+$0xAF00];
	v4 =	vadd.f32 v2, v4  }
0x130: {  	v2 =	vld [tilespmem:s13+$0x1910];
	v5 =	vadd.f32 v3, v5  }
0x131: {  	v3 =	vld [tilespmem:s13+$0x1900];
	[tilespmem:s11+$0x14510] =	vst v4  }
0x132: {  	[tilespmem:s11+$0x14500] =	vst v5;
	s11 =	smov.u32 s13  }
0x133: {  	v0 =	vmul.f32 $5.656854150e+00, v0  }
0x134: {  	v1 =	vmul.f32 $5.656854150e+00, v1  }
0x135: {  	v0 =	vadd.f32 v2, v0  }
0x136: {  	v1 =	vadd.f32 v3, v1  }
0x137: {  	[tilespmem:s11+$0x14510] =	vst v0  }
0x138: {  	s12 =	simm.s32 $0x15E0;
	[tilespmem:s11+$0x14500] =	vst v1  }
0x139: {  	[tilespmem:s30], [sflag:$0x3] =	stream.indirect.gather [hbm4b:s4+s25], $0x20, s12, s25, $0xb8;
	[tilespmem:$0x1A900] =	vst v63  }
0x13a: {  	s13 =	simm.s32 $0x0  }
0x13b: {  	[hbm4b:s16+s13] =	stream.linear.scatter [tilespmem:s23], [sflag:$0x6], $0x3200, $0x38;
	[tilespmem:$0x1A900] =	vst v63  }
0x13c: {  	_ =	swait.ge [sflag:s6], $0x3200  }
0x13d: {  	[sflag:s6] =	ssyncset.done $0x0  }
0x13e: {  	[sflag:s6] =	ssyncadd.s32 $0xFFFFCE00  }
0x13f: {  	_ =	swait.ge [sflag:s9], $0x3200  }
0x140: {  	[sflag:s9] =	ssyncset.done $0x0  }
0x141: {  	s11 =	simm.s32 $0x0;
	[sflag:s9] =	ssyncadd.s32 $0xFFFFCE00  }
0x142: {  	v0 =	vld [tilespmem:s11+$0xE110]  }
0x143: {  	v1 =	vld [tilespmem:s11+$0xE100]  }
0x144: {  	v2 =	vld [tilespmem:s11+$0x1910]  }
0x145: {  	v3 =	vld [tilespmem:s11+$0x1900]  }
0x146: {  	s12 =	simm.s32 $0x80  }
.LBB2_24:
0x147: {  	s13 =	sshra.s32 s12, $0x2;
	p0 =	sne.s32 s12, $0xC780;
	s12 =	sadd.s32 $0x80, s12;
	v4 =	vmul.f32 $5.656854150e+00, v0  }
.Ltmp11:
0x148: {  	v0 =	vld [tilespmem:s13+$0xE110];
	v5 =	vmul.f32 $5.656854150e+00, v1;
	(pc) =	sbr.rel @p0 .LBB2_24-.Ltmp11, $4  }
0x149: {  	v1 =	vld [tilespmem:s13+$0xE100];
	v4 =	vadd.f32 v2, v4  }
0x14a: {  	v2 =	vld [tilespmem:s13+$0x1910];
	v5 =	vadd.f32 v3, v5  }
0x14b: {  	v3 =	vld [tilespmem:s13+$0x1900];
	[tilespmem:s11+$0x17710] =	vst v4  }
0x14c: {  	[tilespmem:s11+$0x17700] =	vst v5;
	s11 =	smov.u32 s13  }
0x14d: {  	v0 =	vmul.f32 $5.656854150e+00, v0  }
0x14e: {  	v1 =	vmul.f32 $5.656854150e+00, v1  }
0x14f: {  	v0 =	vadd.f32 v2, v0  }
0x150: {  	v1 =	vadd.f32 v3, v1  }
0x151: {  	[tilespmem:s11+$0x17710] =	vst v0  }
0x152: {  	s12 =	simm.s32 $0x1770;
	[tilespmem:s11+$0x17700] =	vst v1  }
0x153: {  	[tilespmem:s1], [sflag:$0x4] =	stream.indirect.gather [hbm4b:s4+s25], $0x20, s12, s25, $0xb8;
	[tilespmem:$0x1A900] =	vst v63  }
0x154: {  	s13 =	simm.s32 $0x0  }
0x155: {  	[hbm4b:s17+s13] =	stream.linear.scatter [tilespmem:s5], [sflag:$0x7], $0x3200, $0x38;
	[tilespmem:$0x1A900] =	vst v63  }
0x156: {  	_ =	swait.ge [sflag:s0], $0x3200  }
0x157: {  	[sflag:s0] =	ssyncset.done $0x0  }
0x158: {  	[sflag:s0] =	ssyncadd.s32 $0xFFFFCE00  }
0x159: {  	_ =	swait.ge [sflag:s7], $0x3200  }
0x15a: {  	[sflag:s7] =	ssyncset.done $0x0  }
0x15b: {  	s11 =	simm.s32 $0x0;
	[sflag:s7] =	ssyncadd.s32 $0xFFFFCE00  }
0x15c: {  	v0 =	vld [tilespmem:s11+$0x4B10]  }
0x15d: {  	v1 =	vld [tilespmem:s11+$0x4B00]  }
0x15e: {  	v2 =	vld [tilespmem:s11+$0x1910]  }
0x15f: {  	v3 =	vld [tilespmem:s11+$0x1900]  }
0x160: {  	s12 =	simm.s32 $0x80  }
.LBB2_26:
0x161: {  	s13 =	sshra.s32 s12, $0x2;
	p0 =	sne.s32 s12, $0xC780;
	s12 =	sadd.s32 $0x80, s12;
	v4 =	vmul.f32 $5.656854150e+00, v0  }
.Ltmp12:
0x162: {  	v0 =	vld [tilespmem:s13+$0x4B10];
	v5 =	vmul.f32 $5.656854150e+00, v1;
	(pc) =	sbr.rel @p0 .LBB2_26-.Ltmp12, $4  }
0x163: {  	v1 =	vld [tilespmem:s13+$0x4B00];
	v4 =	vadd.f32 v2, v4  }
0x164: {  	v2 =	vld [tilespmem:s13+$0x1910];
	v5 =	vadd.f32 v3, v5  }
0x165: {  	v3 =	vld [tilespmem:s13+$0x1900];
	[tilespmem:s11+$0x11310] =	vst v4  }
0x166: {  	[tilespmem:s11+$0x11300] =	vst v5;
	s11 =	smov.u32 s13  }
0x167: {  	v0 =	vmul.f32 $5.656854150e+00, v0  }
0x168: {  	v1 =	vmul.f32 $5.656854150e+00, v1  }
0x169: {  	v0 =	vadd.f32 v2, v0  }
0x16a: {  	v1 =	vadd.f32 v3, v1  }
0x16b: {  	[tilespmem:s11+$0x11310] =	vst v0  }
0x16c: {  	s13 =	simm.s32 $0x0;
	[tilespmem:s11+$0x11300] =	vst v1  }
0x16d: {  	[hbm4b:s18+s13] =	stream.linear.scatter [tilespmem:s29], [sflag:$0x5], $0x3200, $0x38;
	[tilespmem:$0x1A900] =	vst v63  }
0x16e: {  	_ =	swait.ge [sflag:s31], $0x3200  }
0x16f: {  	[sflag:s31] =	ssyncset.done $0x0  }
0x170: {  	[sflag:s31] =	ssyncadd.s32 $0xFFFFCE00  }
0x171: {  	_ =	swait.ge [sflag:s8], $0x3200  }
0x172: {  	[sflag:s8] =	ssyncset.done $0x0  }
0x173: {  	s11 =	simm.s32 $0x0;
	[sflag:s8] =	ssyncadd.s32 $0xFFFFCE00  }
0x174: {  	v0 =	vld [tilespmem:s11+$0x7D10]  }
0x175: {  	v1 =	vld [tilespmem:s11+$0x7D00]  }
0x176: {  	v2 =	vld [tilespmem:s11+$0x1910]  }
0x177: {  	v3 =	vld [tilespmem:s11+$0x1900]  }
0x178: {  	s12 =	simm.s32 $0x80  }
.LBB2_28:
0x179: {  	s13 =	sshra.s32 s12, $0x2;
	p0 =	sne.s32 s12, $0xC780;
	s12 =	sadd.s32 $0x80, s12;
	v4 =	vmul.f32 $5.656854150e+00, v0  }
.Ltmp13:
0x17a: {  	v0 =	vld [tilespmem:s13+$0x7D10];
	v5 =	vmul.f32 $5.656854150e+00, v1;
	(pc) =	sbr.rel @p0 .LBB2_28-.Ltmp13, $4  }
0x17b: {  	v1 =	vld [tilespmem:s13+$0x7D00];
	v4 =	vadd.f32 v2, v4  }
0x17c: {  	v2 =	vld [tilespmem:s13+$0x1910];
	v5 =	vadd.f32 v3, v5  }
0x17d: {  	v3 =	vld [tilespmem:s13+$0x1900];
	[tilespmem:s11+$0x14510] =	vst v4  }
0x17e: {  	[tilespmem:s11+$0x14500] =	vst v5;
	s11 =	smov.u32 s13  }
0x17f: {  	v0 =	vmul.f32 $5.656854150e+00, v0  }
0x180: {  	v1 =	vmul.f32 $5.656854150e+00, v1  }
0x181: {  	v0 =	vadd.f32 v2, v0  }
0x182: {  	v1 =	vadd.f32 v3, v1  }
0x183: {  	[tilespmem:s11+$0x14510] =	vst v0  }
0x184: {  	s13 =	simm.s32 $0x0;
	[tilespmem:s11+$0x14500] =	vst v1  }
0x185: {  	[hbm4b:s19+s13] =	stream.linear.scatter [tilespmem:s23], [sflag:$0x6], $0x3200, $0x38;
	[tilespmem:$0x1A900] =	vst v63  }
0x186: {  	_ =	swait.ge [sflag:s2], $0x3200  }
0x187: {  	[sflag:s2] =	ssyncset.done $0x0  }
0x188: {  	[sflag:s2] =	ssyncadd.s32 $0xFFFFCE00  }
0x189: {  	_ =	swait.ge [sflag:s9], $0x3200  }
0x18a: {  	[sflag:s9] =	ssyncset.done $0x0  }
0x18b: {  	s11 =	simm.s32 $0x0;
	[sflag:s9] =	ssyncadd.s32 $0xFFFFCE00  }
0x18c: {  	v0 =	vld [tilespmem:s11+$0xAF10]  }
0x18d: {  	v1 =	vld [tilespmem:s11+$0xAF00]  }
0x18e: {  	v2 =	vld [tilespmem:s11+$0x1910]  }
0x18f: {  	v3 =	vld [tilespmem:s11+$0x1900]  }
0x190: {  	s12 =	simm.s32 $0x80  }
.LBB2_30:
0x191: {  	s13 =	sshra.s32 s12, $0x2;
	p0 =	sne.s32 s12, $0xC780;
	s12 =	sadd.s32 $0x80, s12;
	v4 =	vmul.f32 $5.656854150e+00, v0  }
.Ltmp14:
0x192: {  	v0 =	vld [tilespmem:s13+$0xAF10];
	v5 =	vmul.f32 $5.656854150e+00, v1;
	(pc) =	sbr.rel @p0 .LBB2_30-.Ltmp14, $4  }
0x193: {  	v1 =	vld [tilespmem:s13+$0xAF00];
	v4 =	vadd.f32 v2, v4  }
0x194: {  	v2 =	vld [tilespmem:s13+$0x1910];
	v5 =	vadd.f32 v3, v5  }
0x195: {  	v3 =	vld [tilespmem:s13+$0x1900];
	[tilespmem:s11+$0x17710] =	vst v4  }
0x196: {  	[tilespmem:s11+$0x17700] =	vst v5;
	s11 =	smov.u32 s13  }
0x197: {  	v0 =	vmul.f32 $5.656854150e+00, v0  }
0x198: {  	v1 =	vmul.f32 $5.656854150e+00, v1  }
0x199: {  	v0 =	vadd.f32 v2, v0  }
0x19a: {  	v1 =	vadd.f32 v3, v1  }
0x19b: {  	[tilespmem:s11+$0x17710] =	vst v0  }
0x19c: {  	s13 =	simm.s32 $0x0;
	[tilespmem:s11+$0x17700] =	vst v1  }
0x19d: {  	[hbm4b:s20+s13] =	stream.linear.scatter [tilespmem:s5], [sflag:$0x7], $0x3200, $0x38;
	[tilespmem:$0x1A900] =	vst v63  }
0x19e: {  	_ =	swait.ge [sflag:s6], $0x3200  }
0x19f: {  	[sflag:s6] =	ssyncset.done $0x0  }
0x1a0: {  	[sflag:s6] =	ssyncadd.s32 $0xFFFFCE00  }
0x1a1: {  	_ =	swait.ge [sflag:s7], $0x3200  }
0x1a2: {  	[sflag:s7] =	ssyncset.done $0x0  }
0x1a3: {  	s11 =	simm.s32 $0x0;
	[sflag:s7] =	ssyncadd.s32 $0xFFFFCE00  }
0x1a4: {  	v0 =	vld [tilespmem:s11+$0xE110]  }
0x1a5: {  	v1 =	vld [tilespmem:s11+$0xE100]  }
0x1a6: {  	v2 =	vld [tilespmem:s11+$0x1910]  }
0x1a7: {  	v3 =	vld [tilespmem:s11+$0x1900]  }
0x1a8: {  	s12 =	simm.s32 $0x80  }
.LBB2_32:
0x1a9: {  	s13 =	sshra.s32 s12, $0x2;
	p0 =	sne.s32 s12, $0xC780;
	s12 =	sadd.s32 $0x80, s12;
	v4 =	vmul.f32 $5.656854150e+00, v0  }
.Ltmp15:
0x1aa: {  	v0 =	vld [tilespmem:s13+$0xE110];
	v5 =	vmul.f32 $5.656854150e+00, v1;
	(pc) =	sbr.rel @p0 .LBB2_32-.Ltmp15, $4  }
0x1ab: {  	v1 =	vld [tilespmem:s13+$0xE100];
	v4 =	vadd.f32 v2, v4  }
0x1ac: {  	v2 =	vld [tilespmem:s13+$0x1910];
	v5 =	vadd.f32 v3, v5  }
0x1ad: {  	v3 =	vld [tilespmem:s13+$0x1900];
	[tilespmem:s11+$0x11310] =	vst v4  }
0x1ae: {  	[tilespmem:s11+$0x11300] =	vst v5;
	s11 =	smov.u32 s13  }
0x1af: {  	v0 =	vmul.f32 $5.656854150e+00, v0  }
0x1b0: {  	v1 =	vmul.f32 $5.656854150e+00, v1  }
0x1b1: {  	v0 =	vadd.f32 v2, v0  }
0x1b2: {  	v1 =	vadd.f32 v3, v1  }
0x1b3: {  	[tilespmem:s11+$0x11310] =	vst v0  }
0x1b4: {  	[tilespmem:s11+$0x11300] =	vst v1  }
0x1b5: {  	[hbm4b:s21+s3] =	stream.linear.scatter [tilespmem:s29], [sflag:$0x5], $0x3200, $0x38;
	[tilespmem:$0x1A900] =	vst v63  }
0x1b6: {  	_ =	swait.ge [sflag:s8], $0x3200  }
0x1b7: {  	[sflag:s8] =	ssyncset.done $0x0  }
0x1b8: {  	s10 =	sadd.s32 $0x1, s10;
	[sflag:s8] =	ssyncadd.s32 $0xFFFFCE00  }
0x1b9: {  	p0 =	sne.s32 s10, s22;
	_ =	swait.ge [sflag:s9], $0x3200  }
.Ltmp16:
0x1ba: {  	[sflag:s9] =	ssyncset.done $0x0;
	(pc) =	sbr.rel @p0 .LBB2_1-.Ltmp16, $4  }
0x1bb: {  	[sflag:s9] =	ssyncadd.s32 $0xFFFFCE00  }
0x1bc: {  	_ =	swait.ge [sflag:s7], $0x3200  }
0x1bd: {  	[sflag:s7] =	ssyncset.done $0x0  }
0x1be: {  	[sflag:s7] =	ssyncadd.s32 $0xFFFFCE00  }
0x1bf: {  	_ =	sfence.sel $0x180000  }
0x1c0: {  	[bflag:$0x0] =	sbarrier.arrive $0xFFFF  }
0x1c1: {  	_ =	strace $0x90000047  }
0x1c2: {  	s0 =	stileid.u32;
	[bflag:$0x2] =	sbarrier.arrive $0xFFFF  }
0x1c3: {  	p0 =	sne.s32 s0, $0x0;
	s0 =	rddreg [dreg:$0x2]  }
0x1c4: {  	s0 =	sadd.s32 @!p0 $0x100000, s0  }
0x1c5: {  	[sflag:s0] =	ssyncadd.tile.s32 @!p0 $0x1;
	_ =	shalt  }
.Lfunc_end2:
_tile_overlayer_lowered:
.L_overlay_start_2:
0x1c6: {  	(tag) =	ssettag $0x2  }
0x1c7: {  	s0 =	rddreg [dreg:$0x0];
	s2 =	stileid.u32  }
0x1c8: {  	s1 =	rddreg [dreg:$0x1];
	p0 =	sne.s32 s2, $0x0  }
0x1c9: {  	s3 =	rddreg [dreg:$0x2];
	[bflag:$0x3] =	sbarrier.arrive $0xFFFF;
	s2 =	simm.s32 @!p0 $0x1C08  }
0x1ca: {  	[timem:s3], [sflag:s2] =	dma.local @!p0 [hbm:s0], s1  }
0x1cb: {  	s0 =	simm.s32 @!p0 $0x8  }
0x1cc: {  	_ =	swait.ge @!p0 [sflag:s0], s1  }
0x1cd: {  	s1 =	ssub.s32 @!p0 $0x0, s1;
	[sflag:s0] =	ssyncset.done @!p0 $0x0  }
0x1ce: {  	[sflag:s0] =	ssyncadd.s32 @!p0 s1  }
0x1cf: {  	[bflag:$0x3] =	sbarrier.arrive $0xFFFF  }
0x1d0: {  	_ =	shalt  }

</sc_bundles>
